<compile_context>
chip_gen: v7x
topology: tpu7x:2x2x1
jax: 0.10.2.dev20260603
libtpu: 0.0.44.dev20260713+nightly
codegen_flags: <defaults>
</compile_context>

<pallas_src>
import functools

import jax
import jax.numpy as jnp
from jax import lax
from jax.experimental import pallas as pl
from jax.experimental.pallas import tpu as pltpu
from jax.experimental.pallas import tpu_sc as plsc

_N = 10000
_E = 320000
_DIN = 128
_DE = 16
_DOUT = 128
_DEDGE = 256

_NC = 2
_NS = 16
_NW = _NC * _NS
_EPW = _E // _NW
_CHUNK = 80
_NCHUNK = _EPW // _CHUNK
_NPAD = 10240
_RPT = _NPAD // _NS

_mesh = plsc.VectorSubcoreMesh(
    core_axis_name="c", subcore_axis_name="s", num_cores=_NC, num_subcores=_NS
)


@functools.partial(
    pl.kernel,
    out_type=[
        jax.ShapeDtypeStruct((_NC, _NPAD, _DE), jnp.float32),
        jax.ShapeDtypeStruct((_NC, _NPAD, _DE), jnp.float32),
    ],
    mesh=_mesh,
    scratch_types=[
        pltpu.VMEM((_CHUNK, _DE), jnp.float32),
        pltpu.VMEM((_CHUNK, _DE), jnp.float32),
        pltpu.VMEM((_CHUNK,), jnp.int32),
        pltpu.VMEM_SHARED((_NPAD, _DE), jnp.float32),
        pltpu.VMEM_SHARED((_NPAD, _DE), jnp.float32),
    ],
)
def _seg_sum(ef_hbm, vidx_hbm, z_hbm, sums_hbm, cnts_hbm,
             efbuf, onebuf, idxbuf, acc_f, acc_c):
    c = lax.axis_index("c")
    s = lax.axis_index("s")
    wid = s * _NC + c

    r0 = pl.multiple_of(s * _RPT, 8)
    pltpu.sync_copy(z_hbm.at[pl.ds(r0, _RPT)], acc_f.at[pl.ds(r0, _RPT)])
    pltpu.sync_copy(z_hbm.at[pl.ds(r0, _RPT)], acc_c.at[pl.ds(r0, _RPT)])

    lane = lax.broadcasted_iota(jnp.int32, (16,), 0)
    onerow = jnp.where(lane == 0, 1.0, 0.0).astype(jnp.float32)

    def fill_body(r, carry):
        onebuf[r, :] = onerow
        return carry

    lax.fori_loop(0, _CHUNK, fill_body, 0)
    plsc.subcore_barrier()

    def chunk_body(ci, carry):
        base = pl.multiple_of(wid * _EPW + ci * _CHUNK, 8)
        pltpu.sync_copy(vidx_hbm.at[pl.ds(base, _CHUNK)], idxbuf)
        pltpu.sync_copy(ef_hbm.at[pl.ds(base, _CHUNK)], efbuf)
        pltpu.sync_copy(efbuf, acc_f.at[idxbuf], add=True)
        pltpu.sync_copy(onebuf, acc_c.at[idxbuf], add=True)
        return carry

    lax.fori_loop(0, _NCHUNK, chunk_body, 0)
    plsc.subcore_barrier()

    pltpu.sync_copy(acc_f.at[pl.ds(r0, _RPT)], sums_hbm.at[c].at[pl.ds(r0, _RPT)])
    pltpu.sync_copy(acc_c.at[pl.ds(r0, _RPT)], cnts_hbm.at[c].at[pl.ds(r0, _RPT)])


_BN = 1000


def _apply_body(nf_ref, sums_ref, cnts_ref, w1_ref, w2_ref, ba_ref,
                wu_ref, wv_ref, be_ref, h_ref, a_ref, b_ref):
    sums = sums_ref[0] + sums_ref[1]
    cnt = cnts_ref[0, :, 0:1] + cnts_ref[1, :, 0:1]
    h_neigh = sums / jnp.maximum(cnt, 1.0)
    dn = (((1,), (1,)), ((), ()))
    acc = lax.dot_general(nf_ref[...], w1_ref[...], dn,
                          preferred_element_type=jnp.float32)
    acc += lax.dot_general(h_neigh, w2_ref[...], dn,
                           preferred_element_type=jnp.float32)
    h = jnp.maximum(acc + ba_ref[...], 0.0)
    h_ref[...] = h
    a_ref[...] = lax.dot_general(h, wu_ref[...], dn,
                                 preferred_element_type=jnp.float32) + be_ref[...]
    b_ref[...] = lax.dot_general(h, wv_ref[...], dn,
                                 preferred_element_type=jnp.float32)


_apply_call = pl.pallas_call(
    _apply_body,
    grid=(_N // _BN,),
    in_specs=[
        pl.BlockSpec((_BN, _DIN), lambda i: (i, 0)),
        pl.BlockSpec((_NC, _BN, _DE), lambda i: (0, i, 0)),
        pl.BlockSpec((_NC, _BN, _DE), lambda i: (0, i, 0)),
        pl.BlockSpec((_DOUT, _DIN), lambda i: (0, 0)),
        pl.BlockSpec((_DOUT, _DE), lambda i: (0, 0)),
        pl.BlockSpec((1, _DOUT), lambda i: (0, 0)),
        pl.BlockSpec((_DEDGE, _DOUT), lambda i: (0, 0)),
        pl.BlockSpec((_DEDGE, _DOUT), lambda i: (0, 0)),
        pl.BlockSpec((1, _DEDGE), lambda i: (0, 0)),
    ],
    out_specs=[
        pl.BlockSpec((_BN, _DOUT), lambda i: (i, 0)),
        pl.BlockSpec((_BN, _DEDGE), lambda i: (i, 0)),
        pl.BlockSpec((_BN, _DEDGE), lambda i: (i, 0)),
    ],
    out_shape=[
        jax.ShapeDtypeStruct((_N, _DOUT), jnp.float32),
        jax.ShapeDtypeStruct((_N, _DEDGE), jnp.float32),
        jax.ShapeDtypeStruct((_N, _DEDGE), jnp.float32),
    ],
)


@functools.partial(
    pl.kernel,
    out_type=jax.ShapeDtypeStruct((_E, _DEDGE), jnp.float32),
    mesh=_mesh,
    scratch_types=[
        pltpu.VMEM((_CHUNK,), jnp.int32),
        pltpu.VMEM((_CHUNK,), jnp.int32),
        pltpu.VMEM((_CHUNK, _DEDGE), jnp.float32),
        pltpu.VMEM((_CHUNK, _DEDGE), jnp.float32),
        pltpu.SemaphoreType.DMA,
        pltpu.SemaphoreType.DMA,
    ],
)
def _edge_mlp(a_hbm, b_hbm, u_hbm, v_hbm, out_hbm,
              idxu, idxv, bufa, bufb, sema, semb):
    c = lax.axis_index("c")
    s = lax.axis_index("s")
    wid = s * _NC + c

    def chunk_body(ci, carry):
        base = pl.multiple_of(wid * _EPW + ci * _CHUNK, 8)
        pltpu.sync_copy(u_hbm.at[pl.ds(base, _CHUNK)], idxu)
        pltpu.sync_copy(v_hbm.at[pl.ds(base, _CHUNK)], idxv)
        cpa = pltpu.async_copy(a_hbm.at[idxu], bufa, sema)
        cpb = pltpu.async_copy(b_hbm.at[idxv], bufb, semb)
        cpa.wait()
        cpb.wait()

        def row_body(r, carry2):
            for k in range(_DEDGE // 16):
                sl = pl.ds(k * 16, 16)
                bufa[r, sl] = bufa[r, sl] + bufb[r, sl]
            return carry2

        lax.fori_loop(0, _CHUNK, row_body, 0)
        pltpu.sync_copy(bufa, out_hbm.at[pl.ds(base, _CHUNK)])
        return carry

    lax.fori_loop(0, _NCHUNK, chunk_body, 0)


def kernel(nfeats, efeats, edge_index, W_apply_w, W_apply_b, W_edge_w, W_edge_b):
    nf = nfeats.reshape(_N, _DIN)
    ef = efeats.reshape(_E, _DE)
    u = edge_index[0]
    v = edge_index[1]
    z = jnp.zeros((_NPAD, _DE), jnp.float32)

    sums, cnts = _seg_sum(ef, v, z)
    h, a, b = _apply_call(
        nf, sums, cnts,
        W_apply_w[:, :_DIN], W_apply_w[:, _DIN:],
        W_apply_b.reshape(1, _DOUT),
        W_edge_w[:, :_DOUT], W_edge_w[:, _DOUT:],
        W_edge_b.reshape(1, _DEDGE),
    )
    edge = _edge_mlp(a, b, u, v)
    return h.reshape(_N, 1, _DOUT), edge.reshape(_E, 1, _DEDGE)

# --- scband reference (transcript-rebuilt; emitter-appended) ---
"""Pipeline reference for scband-sagelayer-12077448036513 (READ-ONLY COPY).

The authoritative reference and input builder live on the scoring server;
editing this copy changes nothing except your own understanding.
"""

import jax, jax.numpy as jnp
import numpy as np

N = 10000
E = 320000
DIN = 128
DE = 16
DOUT = 128


def setup_inputs(seed: int = 0) -> dict:
    key = jax.random.key(seed)
    k1, k2, k3, k4, k5 = jax.random.split(key, 5)
    nfeats = jax.random.normal(k1, (N, 1, DIN), dtype=jnp.float32)
    efeats = jax.random.normal(k2, (E, 1, DE), dtype=jnp.float32)
    edge_index = jax.random.randint(k3, (2, E), 0, N, dtype=jnp.int32)
    # W_apply: Linear(DIN+DE -> DOUT), xavier-uniform style scaling
    fan_in = DIN + DE
    lim_a = np.sqrt(2.0) * np.sqrt(6.0 / (fan_in + DOUT))
    W_apply_w = jax.random.uniform(k4, (DOUT, fan_in), dtype=jnp.float32, minval=-lim_a, maxval=lim_a)
    W_apply_b = jnp.zeros((DOUT,), dtype=jnp.float32)
    # W_edge: Linear(256 -> 256), default torch init scale ~ 1/sqrt(fan_in)
    lim_e = 1.0 / np.sqrt(256.0)
    W_edge_w = jax.random.uniform(k5, (256, 256), dtype=jnp.float32, minval=-lim_e, maxval=lim_e)
    W_edge_b = jnp.zeros((256,), dtype=jnp.float32)
    return {
        "nfeats": nfeats,
        "efeats": efeats,
        "edge_index": edge_index,
        "W_apply_w": W_apply_w,
        "W_apply_b": W_apply_b,
        "W_edge_w": W_edge_w,
        "W_edge_b": W_edge_b,
    }


def reference(nfeats, efeats, edge_index, W_apply_w, W_apply_b, W_edge_w, W_edge_b):
    u = edge_index[0]
    v = edge_index[1]
    # message_func: m = edge feature 'h' (efeats); fn.mean('m','h_neigh') aggregates onto dst nodes
    sum_m = jax.ops.segment_sum(efeats, v, num_segments=N)  # [N,1,DE]
    cnt = jax.ops.segment_sum(jnp.ones((E,), dtype=jnp.float32), v, num_segments=N)
    denom = jnp.maximum(cnt, 1.0)[:, None, None]
    h_neigh = sum_m / denom  # zero-in-degree nodes stay 0, matching DGL fn.mean
    # h = relu(W_apply(cat([h, h_neigh], dim=2)))
    h_cat = jnp.concatenate([nfeats, h_neigh], axis=2)  # [N,1,DIN+DE]
    h = jax.nn.relu(jnp.einsum('nld,od->nlo', h_cat, W_apply_w) + W_apply_b)  # [N,1,DOUT]
    # edge = W_edge(cat(h[u], h[v], dim=2))
    e_cat = jnp.concatenate([h[u], h[v]], axis=2)  # [E,1,2*DOUT]
    edge = jnp.einsum('eld,od->elo', e_cat, W_edge_w) + W_edge_b  # [E,1,256]
    return (h, edge)

if __name__ == "__main__":
    import jax
    _d = setup_inputs()
    print(jax.jit(kernel)(*tuple(_d.values())))

</pallas_src>

<mosaic_0001>
#map = affine_map<(d0, d1) -> (0, 0)>
#map1 = affine_map<(d0, d1) -> (0)>
#map2 = affine_map<(d0, d1) -> (0, 0, 0)>
module attributes {stable_mosaic.version = 14 : i64} {
  func.func @_seg_sum(%arg0: i32, %arg1: i32, %arg2: memref<320000x16xf32, #tpu.memory_space<hbm>>, %arg3: memref<320000xi32, #tpu.memory_space<hbm>>, %arg4: memref<10240x16xf32, #tpu.memory_space<hbm>>, %arg5: memref<2x10240x16xf32, #tpu.memory_space<hbm>>, %arg6: memref<2x10240x16xf32, #tpu.memory_space<hbm>>, %arg7: memref<80x16xf32, #tpu.memory_space<vmem>>, %arg8: memref<80x16xf32, #tpu.memory_space<vmem>>, %arg9: memref<80xi32, #tpu.memory_space<vmem>>, %arg10: memref<10240x16xf32, #tpu.memory_space<vmem_shared>>, %arg11: memref<10240x16xf32, #tpu.memory_space<vmem_shared>>) attributes {dimension_semantics = [#tpu.dimension_semantics<core_parallel>, #tpu.dimension_semantics<subcore_parallel>], iteration_bounds = array<i64: 2, 16>, scalar_prefetch = 0 : i64, scratch_operands = 5 : i64, tpu.core_type = #tpu.core_type<sc_vector_subcore>, window_params = [{transform_indices = #map}, {transform_indices = #map1}, {transform_indices = #map}, {transform_indices = #map2}, {transform_indices = #map2}]} {
    %mul3A = arith.constant 2 : i32
    %mul3A_0 = arith.muli %arg1, %mul3A : i32
    %add3A = arith.addi %mul3A_0, %arg0 : i32
    %mul3A_1 = arith.constant 640 : i32
    %mul3A_2 = arith.muli %arg1, %mul3A_1 : i32
    %multiple_of3A = tpu.assume_multiple %mul3A_2, 8 : i32
    "tpu.region"() ({
      %run_scoped3A = tpu.sem_alloc : memref<!tpu.dma_semaphore, #tpu.memory_space<semaphore_mem>>
      %dma_start3A = arith.constant 0 : i32
      %dma_start3A_19 = tpu.memref_slice %arg10[%multiple_of3A, %dma_start3A] : memref<10240x16xf32, #tpu.memory_space<vmem_shared>> -> memref<640x16xf32, #tpu.memory_space<vmem_shared>>
      %dma_start3A_20 = arith.constant 0 : i32
      %dma_start3A_21 = tpu.memref_slice %arg4[%multiple_of3A, %dma_start3A_20] : memref<10240x16xf32, #tpu.memory_space<hbm>> -> memref<640x16xf32, #tpu.memory_space<hbm>>
      tpu.enqueue_dma source(%dma_start3A_21 : memref<640x16xf32, #tpu.memory_space<hbm>>) target(%dma_start3A_19 : memref<640x16xf32, #tpu.memory_space<vmem_shared>>) target_semaphore(%run_scoped3A : memref<!tpu.dma_semaphore, #tpu.memory_space<semaphore_mem>>)
      %dma_wait3A = arith.constant 0 : i32
      %dma_wait3A_22 = tpu.memref_slice %arg10[%multiple_of3A, %dma_wait3A] : memref<10240x16xf32, #tpu.memory_space<vmem_shared>> -> memref<640x16xf32, #tpu.memory_space<vmem_shared>>
      %dma_wait3A_23 = arith.constant 0 : i32
      %dma_wait3A_24 = tpu.memref_slice %arg4[%multiple_of3A, %dma_wait3A_23] : memref<10240x16xf32, #tpu.memory_space<hbm>> -> memref<640x16xf32, #tpu.memory_space<hbm>>
      tpu.wait_dma2 semaphore(%run_scoped3A : memref<!tpu.dma_semaphore, #tpu.memory_space<semaphore_mem>>) src(%dma_wait3A_24 : memref<640x16xf32, #tpu.memory_space<hbm>>) dst(%dma_wait3A_22 : memref<640x16xf32, #tpu.memory_space<vmem_shared>>)
      tpu.yield
    }) : () -> ()
    "tpu.region"() ({
      %run_scoped3A = tpu.sem_alloc : memref<!tpu.dma_semaphore, #tpu.memory_space<semaphore_mem>>
      %dma_start3A = arith.constant 0 : i32
      %dma_start3A_19 = tpu.memref_slice %arg11[%multiple_of3A, %dma_start3A] : memref<10240x16xf32, #tpu.memory_space<vmem_shared>> -> memref<640x16xf32, #tpu.memory_space<vmem_shared>>
      %dma_start3A_20 = arith.constant 0 : i32
      %dma_start3A_21 = tpu.memref_slice %arg4[%multiple_of3A, %dma_start3A_20] : memref<10240x16xf32, #tpu.memory_space<hbm>> -> memref<640x16xf32, #tpu.memory_space<hbm>>
      tpu.enqueue_dma source(%dma_start3A_21 : memref<640x16xf32, #tpu.memory_space<hbm>>) target(%dma_start3A_19 : memref<640x16xf32, #tpu.memory_space<vmem_shared>>) target_semaphore(%run_scoped3A : memref<!tpu.dma_semaphore, #tpu.memory_space<semaphore_mem>>)
      %dma_wait3A = arith.constant 0 : i32
      %dma_wait3A_22 = tpu.memref_slice %arg11[%multiple_of3A, %dma_wait3A] : memref<10240x16xf32, #tpu.memory_space<vmem_shared>> -> memref<640x16xf32, #tpu.memory_space<vmem_shared>>
      %dma_wait3A_23 = arith.constant 0 : i32
      %dma_wait3A_24 = tpu.memref_slice %arg4[%multiple_of3A, %dma_wait3A_23] : memref<10240x16xf32, #tpu.memory_space<hbm>> -> memref<640x16xf32, #tpu.memory_space<hbm>>
      tpu.wait_dma2 semaphore(%run_scoped3A : memref<!tpu.dma_semaphore, #tpu.memory_space<semaphore_mem>>) src(%dma_wait3A_24 : memref<640x16xf32, #tpu.memory_space<hbm>>) dst(%dma_wait3A_22 : memref<640x16xf32, #tpu.memory_space<vmem_shared>>)
      tpu.yield
    }) : () -> ()
    %iota3A = tpu.iota {dimensions = array<i32: 0>} : vector<16xi32>
    %eq3A = arith.constant 0 : i32
    %eq3A_3 = vector.broadcast %eq3A : i32 to vector<16xi32>
    %eq3A_4 = arith.cmpi eq, %iota3A, %eq3A_3 : vector<16xi32>
    %jit3A = arith.constant 1.000000e+00 : f32
    %jit3A_5 = arith.constant 0.000000e+00 : f32
    %broadcast_in_dim3A = vector.broadcast %jit3A : f32 to vector<16xf32>
    %broadcast_in_dim3A_6 = vector.broadcast %jit3A_5 : f32 to vector<16xf32>
    %select_n3A = arith.select %eq3A_4, %broadcast_in_dim3A, %broadcast_in_dim3A_6 : vector<16xi1>, vector<16xf32>
    %scan3A = arith.constant 0 : i32
    %scan3A_7 = arith.constant 0 : i32
    %scan3A_8 = arith.constant 80 : i32
    %scan3A_9 = arith.addi %scan3A_7, %scan3A_8 : i32
    %scan3A_10 = arith.constant 1 : i32
    scf.for %scan3A_19 = %scan3A_7 to %scan3A_9 step %scan3A_10  : i32 {
      %swap3A = arith.index_cast %scan3A_19 : i32 to index
      %swap3A_20 = arith.constant 0 : index
      %swap3A_21 = tpu.vector_load %arg8[%swap3A, %swap3A_20] {strides = array<i32>} : memref<80x16xf32, #tpu.memory_space<vmem>>, vector<1x16xf32>,
      %swap3A_22 = vector.shape_cast %swap3A_21 : vector<1x16xf32> to vector<16xf32>
      %swap3A_23 = vector.shape_cast %select_n3A : vector<16xf32> to vector<1x16xf32>
      tpu.vector_store %arg8[%swap3A, %swap3A_20], %swap3A_23 {strides = array<i32>} : memref<80x16xf32, #tpu.memory_space<vmem>>, vector<1x16xf32>,
    }
    %scan3A_11 = arith.constant 80 : i32
    %barrier3A = arith.constant 0 : index
    tpu.barrier barrier_id(%barrier3A)
    %scan3A_12 = arith.constant 0 : i32
    %scan3A_13 = arith.constant 0 : i32
    %scan3A_14 = arith.constant 125 : i32
    %scan3A_15 = arith.addi %scan3A_13, %scan3A_14 : i32
    %scan3A_16 = arith.constant 1 : i32
    scf.for %scan3A_19 = %scan3A_13 to %scan3A_15 step %scan3A_16  : i32 {
      %mul3A_20 = arith.constant 10000 : i32
      %mul3A_21 = arith.muli %add3A, %mul3A_20 : i32
      %mul3A_22 = arith.constant 80 : i32
      %mul3A_23 = arith.muli %scan3A_19, %mul3A_22 : i32
      %add3A_24 = arith.addi %mul3A_21, %mul3A_23 : i32
      %multiple_of3A_25 = tpu.assume_multiple %add3A_24, 8 : i32
      "tpu.region"() ({
        %run_scoped3A = tpu.sem_alloc : memref<!tpu.dma_semaphore, #tpu.memory_space<semaphore_mem>>
        %dma_start3A = tpu.memref_slice %arg3[%multiple_of3A_25] : memref<320000xi32, #tpu.memory_space<hbm>> -> memref<80xi32, #tpu.memory_space<hbm>>
        %dma_start3A_26 = tpu.memref_slice %arg3[%multiple_of3A_25] : memref<320000xi32, #tpu.memory_space<hbm>> -> memref<80xi32, #tpu.memory_space<hbm>>
        tpu.enqueue_dma source(%dma_start3A_26 : memref<80xi32, #tpu.memory_space<hbm>>) target(%arg9 : memref<80xi32, #tpu.memory_space<vmem>>) target_semaphore(%run_scoped3A : memref<!tpu.dma_semaphore, #tpu.memory_space<semaphore_mem>>)
        %dma_wait3A = tpu.memref_slice %arg3[%multiple_of3A_25] : memref<320000xi32, #tpu.memory_space<hbm>> -> memref<80xi32, #tpu.memory_space<hbm>>
        %dma_wait3A_27 = tpu.memref_slice %arg3[%multiple_of3A_25] : memref<320000xi32, #tpu.memory_space<hbm>> -> memref<80xi32, #tpu.memory_space<hbm>>
        tpu.wait_dma2 semaphore(%run_scoped3A : memref<!tpu.dma_semaphore, #tpu.memory_space<semaphore_mem>>) src(%dma_wait3A_27 : memref<80xi32, #tpu.memory_space<hbm>>) dst(%arg9 : memref<80xi32, #tpu.memory_space<vmem>>)
        tpu.yield
      }) : () -> ()
      "tpu.region"() ({
        %run_scoped3A = tpu.sem_alloc : memref<!tpu.dma_semaphore, #tpu.memory_space<semaphore_mem>>
        %dma_start3A = arith.constant 0 : i32
        %dma_start3A_26 = tpu.memref_slice %arg2[%multiple_of3A_25, %dma_start3A] : memref<320000x16xf32, #tpu.memory_space<hbm>> -> memref<80x16xf32, #tpu.memory_space<hbm>>
        %dma_start3A_27 = arith.constant 0 : i32
        %dma_start3A_28 = tpu.memref_slice %arg2[%multiple_of3A_25, %dma_start3A_27] : memref<320000x16xf32, #tpu.memory_space<hbm>> -> memref<80x16xf32, #tpu.memory_space<hbm>>
        tpu.enqueue_dma source(%dma_start3A_28 : memref<80x16xf32, #tpu.memory_space<hbm>>) target(%arg7 : memref<80x16xf32, #tpu.memory_space<vmem>>) target_semaphore(%run_scoped3A : memref<!tpu.dma_semaphore, #tpu.memory_space<semaphore_mem>>)
        %dma_wait3A = arith.constant 0 : i32
        %dma_wait3A_29 = tpu.memref_slice %arg2[%multiple_of3A_25, %dma_wait3A] : memref<320000x16xf32, #tpu.memory_space<hbm>> -> memref<80x16xf32, #tpu.memory_space<hbm>>
        %dma_wait3A_30 = arith.constant 0 : i32
        %dma_wait3A_31 = tpu.memref_slice %arg2[%multiple_of3A_25, %dma_wait3A_30] : memref<320000x16xf32, #tpu.memory_space<hbm>> -> memref<80x16xf32, #tpu.memory_space<hbm>>
        tpu.wait_dma2 semaphore(%run_scoped3A : memref<!tpu.dma_semaphore, #tpu.memory_space<semaphore_mem>>) src(%dma_wait3A_31 : memref<80x16xf32, #tpu.memory_space<hbm>>) dst(%arg7 : memref<80x16xf32, #tpu.memory_space<vmem>>)
        tpu.yield
      }) : () -> ()
      "tpu.region"() ({
        %run_scoped3A = tpu.sem_alloc : memref<!tpu.dma_semaphore, #tpu.memory_space<semaphore_mem>>
        %dma_start3A = arith.constant 0 : i32
        %dma_start3A_26 = arith.constant 0 : i32
        %dma_start3A_27 = tpu.memref_slice %arg10[%dma_start3A, %dma_start3A_26] : memref<10240x16xf32, #tpu.memory_space<vmem_shared>> -> memref<10240x16xf32, #tpu.memory_space<vmem_shared>>
        tpu.enqueue_indirect_dma source(%arg7 : memref<80x16xf32, #tpu.memory_space<vmem>>) target(%dma_start3A_27 : memref<10240x16xf32, #tpu.memory_space<vmem_shared>>) offsets(%arg9 : memref<80xi32, #tpu.memory_space<vmem>>) semaphore(%run_scoped3A : memref<!tpu.dma_semaphore, #tpu.memory_space<semaphore_mem>>) {add = true}
        %dma_wait3A = arith.constant 0 : i32
        %dma_wait3A_28 = arith.constant 0 : i32
        %dma_wait3A_29 = tpu.memref_slice %arg10[%dma_wait3A, %dma_wait3A_28] : memref<10240x16xf32, #tpu.memory_space<vmem_shared>> -> memref<10240x16xf32, #tpu.memory_space<vmem_shared>>
        tpu.wait_indirect_dma semaphore(%run_scoped3A : memref<!tpu.dma_semaphore, #tpu.memory_space<semaphore_mem>>) src(%arg7 : memref<80x16xf32, #tpu.memory_space<vmem>>) dst(%dma_wait3A_29 : memref<10240x16xf32, #tpu.memory_space<vmem_shared>>)
        tpu.yield
      }) : () -> ()
      "tpu.region"() ({
        %run_scoped3A = tpu.sem_alloc : memref<!tpu.dma_semaphore, #tpu.memory_space<semaphore_mem>>
        %dma_start3A = arith.constant 0 : i32
        %dma_start3A_26 = arith.constant 0 : i32
        %dma_start3A_27 = tpu.memref_slice %arg11[%dma_start3A, %dma_start3A_26] : memref<10240x16xf32, #tpu.memory_space<vmem_shared>> -> memref<10240x16xf32, #tpu.memory_space<vmem_shared>>
        tpu.enqueue_indirect_dma source(%arg8 : memref<80x16xf32, #tpu.memory_space<vmem>>) target(%dma_start3A_27 : memref<10240x16xf32, #tpu.memory_space<vmem_shared>>) offsets(%arg9 : memref<80xi32, #tpu.memory_space<vmem>>) semaphore(%run_scoped3A : memref<!tpu.dma_semaphore, #tpu.memory_space<semaphore_mem>>) {add = true}
        %dma_wait3A = arith.constant 0 : i32
        %dma_wait3A_28 = arith.constant 0 : i32
        %dma_wait3A_29 = tpu.memref_slice %arg11[%dma_wait3A, %dma_wait3A_28] : memref<10240x16xf32, #tpu.memory_space<vmem_shared>> -> memref<10240x16xf32, #tpu.memory_space<vmem_shared>>
        tpu.wait_indirect_dma semaphore(%run_scoped3A : memref<!tpu.dma_semaphore, #tpu.memory_space<semaphore_mem>>) src(%arg8 : memref<80x16xf32, #tpu.memory_space<vmem>>) dst(%dma_wait3A_29 : memref<10240x16xf32, #tpu.memory_space<vmem_shared>>)
        tpu.yield
      }) : () -> ()
    }
    %scan3A_17 = arith.constant 125 : i32
    %barrier3A_18 = arith.constant 0 : index
    tpu.barrier barrier_id(%barrier3A_18)
    "tpu.region"() ({
      %run_scoped3A = tpu.sem_alloc : memref<!tpu.dma_semaphore, #tpu.memory_space<semaphore_mem>>
      %dma_start3A = arith.constant 0 : i32
      %dma_start3A_19 = arith.constant 0 : i32
      %dma_start3A_20 = tpu.memref_slice %arg5[%arg0, %dma_start3A, %dma_start3A_19] : memref<2x10240x16xf32, #tpu.memory_space<hbm>> -> memref<1x10240x16xf32, #tpu.memory_space<hbm>>
      %dma_start3A_21 = tpu.memref_squeeze %dma_start3A_20 : memref<1x10240x16xf32, #tpu.memory_space<hbm>> -> memref<10240x16xf32, #tpu.memory_space<hbm>>
      %dma_start3A_22 = arith.constant 0 : i32
      %dma_start3A_23 = tpu.memref_slice %dma_start3A_21[%multiple_of3A, %dma_start3A_22] : memref<10240x16xf32, #tpu.memory_space<hbm>> -> memref<640x16xf32, #tpu.memory_space<hbm>>
      %dma_start3A_24 = arith.constant 0 : i32
      %dma_start3A_25 = tpu.memref_slice %arg10[%multiple_of3A, %dma_start3A_24] : memref<10240x16xf32, #tpu.memory_space<vmem_shared>> -> memref<640x16xf32, #tpu.memory_space<vmem_shared>>
      tpu.enqueue_dma source(%dma_start3A_25 : memref<640x16xf32, #tpu.memory_space<vmem_shared>>) target(%dma_start3A_23 : memref<640x16xf32, #tpu.memory_space<hbm>>) target_semaphore(%run_scoped3A : memref<!tpu.dma_semaphore, #tpu.memory_space<semaphore_mem>>)
      %dma_wait3A = arith.constant 0 : i32
      %dma_wait3A_26 = arith.constant 0 : i32
      %dma_wait3A_27 = tpu.memref_slice %arg5[%arg0, %dma_wait3A, %dma_wait3A_26] : memref<2x10240x16xf32, #tpu.memory_space<hbm>> -> memref<1x10240x16xf32, #tpu.memory_space<hbm>>
      %dma_wait3A_28 = tpu.memref_squeeze %dma_wait3A_27 : memref<1x10240x16xf32, #tpu.memory_space<hbm>> -> memref<10240x16xf32, #tpu.memory_space<hbm>>
      %dma_wait3A_29 = arith.constant 0 : i32
      %dma_wait3A_30 = tpu.memref_slice %dma_wait3A_28[%multiple_of3A, %dma_wait3A_29] : memref<10240x16xf32, #tpu.memory_space<hbm>> -> memref<640x16xf32, #tpu.memory_space<hbm>>
      %dma_wait3A_31 = arith.constant 0 : i32
      %dma_wait3A_32 = tpu.memref_slice %arg10[%multiple_of3A, %dma_wait3A_31] : memref<10240x16xf32, #tpu.memory_space<vmem_shared>> -> memref<640x16xf32, #tpu.memory_space<vmem_shared>>
      tpu.wait_dma2 semaphore(%run_scoped3A : memref<!tpu.dma_semaphore, #tpu.memory_space<semaphore_mem>>) src(%dma_wait3A_32 : memref<640x16xf32, #tpu.memory_space<vmem_shared>>) dst(%dma_wait3A_30 : memref<640x16xf32, #tpu.memory_space<hbm>>)
      tpu.yield
    }) : () -> ()
    "tpu.region"() ({
      %run_scoped3A = tpu.sem_alloc : memref<!tpu.dma_semaphore, #tpu.memory_space<semaphore_mem>>
      %dma_start3A = arith.constant 0 : i32
      %dma_start3A_19 = arith.constant 0 : i32
      %dma_start3A_20 = tpu.memref_slice %arg6[%arg0, %dma_start3A, %dma_start3A_19] : memref<2x10240x16xf32, #tpu.memory_space<hbm>> -> memref<1x10240x16xf32, #tpu.memory_space<hbm>>
      %dma_start3A_21 = tpu.memref_squeeze %dma_start3A_20 : memref<1x10240x16xf32, #tpu.memory_space<hbm>> -> memref<10240x16xf32, #tpu.memory_space<hbm>>
      %dma_start3A_22 = arith.constant 0 : i32
      %dma_start3A_23 = tpu.memref_slice %dma_start3A_21[%multiple_of3A, %dma_start3A_22] : memref<10240x16xf32, #tpu.memory_space<hbm>> -> memref<640x16xf32, #tpu.memory_space<hbm>>
      %dma_start3A_24 = arith.constant 0 : i32
      %dma_start3A_25 = tpu.memref_slice %arg11[%multiple_of3A, %dma_start3A_24] : memref<10240x16xf32, #tpu.memory_space<vmem_shared>> -> memref<640x16xf32, #tpu.memory_space<vmem_shared>>
      tpu.enqueue_dma source(%dma_start3A_25 : memref<640x16xf32, #tpu.memory_space<vmem_shared>>) target(%dma_start3A_23 : memref<640x16xf32, #tpu.memory_space<hbm>>) target_semaphore(%run_scoped3A : memref<!tpu.dma_semaphore, #tpu.memory_space<semaphore_mem>>)
      %dma_wait3A = arith.constant 0 : i32
      %dma_wait3A_26 = arith.constant 0 : i32
      %dma_wait3A_27 = tpu.memref_slice %arg6[%arg0, %dma_wait3A, %dma_wait3A_26] : memref<2x10240x16xf32, #tpu.memory_space<hbm>> -> memref<1x10240x16xf32, #tpu.memory_space<hbm>>
      %dma_wait3A_28 = tpu.memref_squeeze %dma_wait3A_27 : memref<1x10240x16xf32, #tpu.memory_space<hbm>> -> memref<10240x16xf32, #tpu.memory_space<hbm>>
      %dma_wait3A_29 = arith.constant 0 : i32
      %dma_wait3A_30 = tpu.memref_slice %dma_wait3A_28[%multiple_of3A, %dma_wait3A_29] : memref<10240x16xf32, #tpu.memory_space<hbm>> -> memref<640x16xf32, #tpu.memory_space<hbm>>
      %dma_wait3A_31 = arith.constant 0 : i32
      %dma_wait3A_32 = tpu.memref_slice %arg11[%multiple_of3A, %dma_wait3A_31] : memref<10240x16xf32, #tpu.memory_space<vmem_shared>> -> memref<640x16xf32, #tpu.memory_space<vmem_shared>>
      tpu.wait_dma2 semaphore(%run_scoped3A : memref<!tpu.dma_semaphore, #tpu.memory_space<semaphore_mem>>) src(%dma_wait3A_32 : memref<640x16xf32, #tpu.memory_space<vmem_shared>>) dst(%dma_wait3A_30 : memref<640x16xf32, #tpu.memory_space<hbm>>)
      tpu.yield
    }) : () -> ()
    return
  }
}

#map = affine_map<(d0, d1) -> (0, 0)>
#map1 = affine_map<(d0, d1) -> (0)>
module attributes {stable_mosaic.version = 14 : i64} {
  func.func @_edge_mlp(%arg0: i32, %arg1: i32, %arg2: memref<10000x256xf32, #tpu.memory_space<hbm>>, %arg3: memref<10000x256xf32, #tpu.memory_space<hbm>>, %arg4: memref<320000xi32, #tpu.memory_space<hbm>>, %arg5: memref<320000xi32, #tpu.memory_space<hbm>>, %arg6: memref<320000x256xf32, #tpu.memory_space<hbm>>, %arg7: memref<80xi32, #tpu.memory_space<vmem>>, %arg8: memref<80xi32, #tpu.memory_space<vmem>>, %arg9: memref<80x256xf32, #tpu.memory_space<vmem>>, %arg10: memref<80x256xf32, #tpu.memory_space<vmem>>, %arg11: memref<!tpu.dma_semaphore, #tpu.memory_space<semaphore_mem>>, %arg12: memref<!tpu.dma_semaphore, #tpu.memory_space<semaphore_mem>>) attributes {dimension_semantics = [#tpu.dimension_semantics<core_parallel>, #tpu.dimension_semantics<subcore_parallel>], iteration_bounds = array<i64: 2, 16>, scalar_prefetch = 0 : i64, scratch_operands = 6 : i64, tpu.core_type = #tpu.core_type<sc_vector_subcore>, window_params = [{transform_indices = #map}, {transform_indices = #map}, {transform_indices = #map1}, {transform_indices = #map1}, {transform_indices = #map}]} {
    %mul3A = arith.constant 2 : i32
    %mul3A_0 = arith.muli %arg1, %mul3A : i32
    %add3A = arith.addi %mul3A_0, %arg0 : i32
    %scan3A = arith.constant 0 : i32
    %scan3A_1 = arith.constant 0 : i32
    %scan3A_2 = arith.constant 125 : i32
    %scan3A_3 = arith.addi %scan3A_1, %scan3A_2 : i32
    %scan3A_4 = arith.constant 1 : i32
    scf.for %scan3A_6 = %scan3A_1 to %scan3A_3 step %scan3A_4  : i32 {
      %mul3A_7 = arith.constant 10000 : i32
      %mul3A_8 = arith.muli %add3A, %mul3A_7 : i32
      %mul3A_9 = arith.constant 80 : i32
      %mul3A_10 = arith.muli %scan3A_6, %mul3A_9 : i32
      %add3A_11 = arith.addi %mul3A_8, %mul3A_10 : i32
      %multiple_of3A = tpu.assume_multiple %add3A_11, 8 : i32
      "tpu.region"() ({
        %run_scoped3A = tpu.sem_alloc : memref<!tpu.dma_semaphore, #tpu.memory_space<semaphore_mem>>
        %dma_start3A_28 = tpu.memref_slice %arg4[%multiple_of3A] : memref<320000xi32, #tpu.memory_space<hbm>> -> memref<80xi32, #tpu.memory_space<hbm>>
        %dma_start3A_29 = tpu.memref_slice %arg4[%multiple_of3A] : memref<320000xi32, #tpu.memory_space<hbm>> -> memref<80xi32, #tpu.memory_space<hbm>>
        tpu.enqueue_dma source(%dma_start3A_29 : memref<80xi32, #tpu.memory_space<hbm>>) target(%arg7 : memref<80xi32, #tpu.memory_space<vmem>>) target_semaphore(%run_scoped3A : memref<!tpu.dma_semaphore, #tpu.memory_space<semaphore_mem>>)
        %dma_wait3A_30 = tpu.memref_slice %arg4[%multiple_of3A] : memref<320000xi32, #tpu.memory_space<hbm>> -> memref<80xi32, #tpu.memory_space<hbm>>
        %dma_wait3A_31 = tpu.memref_slice %arg4[%multiple_of3A] : memref<320000xi32, #tpu.memory_space<hbm>> -> memref<80xi32, #tpu.memory_space<hbm>>
        tpu.wait_dma2 semaphore(%run_scoped3A : memref<!tpu.dma_semaphore, #tpu.memory_space<semaphore_mem>>) src(%dma_wait3A_31 : memref<80xi32, #tpu.memory_space<hbm>>) dst(%arg7 : memref<80xi32, #tpu.memory_space<vmem>>)
        tpu.yield
      }) : () -> ()
      "tpu.region"() ({
        %run_scoped3A = tpu.sem_alloc : memref<!tpu.dma_semaphore, #tpu.memory_space<semaphore_mem>>
        %dma_start3A_28 = tpu.memref_slice %arg5[%multiple_of3A] : memref<320000xi32, #tpu.memory_space<hbm>> -> memref<80xi32, #tpu.memory_space<hbm>>
        %dma_start3A_29 = tpu.memref_slice %arg5[%multiple_of3A] : memref<320000xi32, #tpu.memory_space<hbm>> -> memref<80xi32, #tpu.memory_space<hbm>>
        tpu.enqueue_dma source(%dma_start3A_29 : memref<80xi32, #tpu.memory_space<hbm>>) target(%arg8 : memref<80xi32, #tpu.memory_space<vmem>>) target_semaphore(%run_scoped3A : memref<!tpu.dma_semaphore, #tpu.memory_space<semaphore_mem>>)
        %dma_wait3A_30 = tpu.memref_slice %arg5[%multiple_of3A] : memref<320000xi32, #tpu.memory_space<hbm>> -> memref<80xi32, #tpu.memory_space<hbm>>
        %dma_wait3A_31 = tpu.memref_slice %arg5[%multiple_of3A] : memref<320000xi32, #tpu.memory_space<hbm>> -> memref<80xi32, #tpu.memory_space<hbm>>
        tpu.wait_dma2 semaphore(%run_scoped3A : memref<!tpu.dma_semaphore, #tpu.memory_space<semaphore_mem>>) src(%dma_wait3A_31 : memref<80xi32, #tpu.memory_space<hbm>>) dst(%arg8 : memref<80xi32, #tpu.memory_space<vmem>>)
        tpu.yield
      }) : () -> ()
      %dma_start3A = arith.constant 0 : i32
      %dma_start3A_12 = arith.constant 0 : i32
      %dma_start3A_13 = tpu.memref_slice %arg2[%dma_start3A, %dma_start3A_12] : memref<10000x256xf32, #tpu.memory_space<hbm>> -> memref<10000x256xf32, #tpu.memory_space<hbm>>
      tpu.enqueue_indirect_dma source(%dma_start3A_13 : memref<10000x256xf32, #tpu.memory_space<hbm>>) target(%arg9 : memref<80x256xf32, #tpu.memory_space<vmem>>) offsets(%arg7 : memref<80xi32, #tpu.memory_space<vmem>>) semaphore(%arg11 : memref<!tpu.dma_semaphore, #tpu.memory_space<semaphore_mem>>)
      %dma_start3A_14 = arith.constant 0 : i32
      %dma_start3A_15 = arith.constant 0 : i32
      %dma_start3A_16 = tpu.memref_slice %arg3[%dma_start3A_14, %dma_start3A_15] : memref<10000x256xf32, #tpu.memory_space<hbm>> -> memref<10000x256xf32, #tpu.memory_space<hbm>>
      tpu.enqueue_indirect_dma source(%dma_start3A_16 : memref<10000x256xf32, #tpu.memory_space<hbm>>) target(%arg10 : memref<80x256xf32, #tpu.memory_space<vmem>>) offsets(%arg8 : memref<80xi32, #tpu.memory_space<vmem>>) semaphore(%arg12 : memref<!tpu.dma_semaphore, #tpu.memory_space<semaphore_mem>>)
      %dma_wait3A = arith.constant 0 : i32
      %dma_wait3A_17 = arith.constant 0 : i32
      %dma_wait3A_18 = tpu.memref_slice %arg2[%dma_wait3A, %dma_wait3A_17] : memref<10000x256xf32, #tpu.memory_space<hbm>> -> memref<10000x256xf32, #tpu.memory_space<hbm>>
      tpu.wait_indirect_dma semaphore(%arg11 : memref<!tpu.dma_semaphore, #tpu.memory_space<semaphore_mem>>) src(%dma_wait3A_18 : memref<10000x256xf32, #tpu.memory_space<hbm>>) dst(%arg9 : memref<80x256xf32, #tpu.memory_space<vmem>>)
      %dma_wait3A_19 = arith.constant 0 : i32
      %dma_wait3A_20 = arith.constant 0 : i32
      %dma_wait3A_21 = tpu.memref_slice %arg3[%dma_wait3A_19, %dma_wait3A_20] : memref<10000x256xf32, #tpu.memory_space<hbm>> -> memref<10000x256xf32, #tpu.memory_space<hbm>>
      tpu.wait_indirect_dma semaphore(%arg12 : memref<!tpu.dma_semaphore, #tpu.memory_space<semaphore_mem>>) src(%dma_wait3A_21 : memref<10000x256xf32, #tpu.memory_space<hbm>>) dst(%arg10 : memref<80x256xf32, #tpu.memory_space<vmem>>)
      %scan3A_22 = arith.constant 0 : i32
      %scan3A_23 = arith.constant 0 : i32
      %scan3A_24 = arith.constant 80 : i32
      %scan3A_25 = arith.addi %scan3A_23, %scan3A_24 : i32
      %scan3A_26 = arith.constant 1 : i32
      scf.for %scan3A_28 = %scan3A_23 to %scan3A_25 step %scan3A_26  : i32 {
        %get3A = arith.index_cast %scan3A_28 : i32 to index
        %get3A_29 = arith.constant 0 : index
        %get3A_30 = tpu.vector_load %arg9[%get3A, %get3A_29] {strides = array<i32>} : memref<80x256xf32, #tpu.memory_space<vmem>>, vector<1x16xf32>,
        %get3A_31 = vector.shape_cast %get3A_30 : vector<1x16xf32> to vector<16xf32>
        %get3A_32 = arith.index_cast %scan3A_28 : i32 to index
        %get3A_33 = arith.constant 0 : index
        %get3A_34 = tpu.vector_load %arg10[%get3A_32, %get3A_33] {strides = array<i32>} : memref<80x256xf32, #tpu.memory_space<vmem>>, vector<1x16xf32>,
        %get3A_35 = vector.shape_cast %get3A_34 : vector<1x16xf32> to vector<16xf32>
        %add3A_36 = arith.addf %get3A_31, %get3A_35 : vector<16xf32>
        %swap3A = arith.index_cast %scan3A_28 : i32 to index
        %swap3A_37 = arith.constant 0 : index
        %swap3A_38 = tpu.vector_load %arg9[%swap3A, %swap3A_37] {strides = array<i32>} : memref<80x256xf32, #tpu.memory_space<vmem>>, vector<1x16xf32>,
        %swap3A_39 = vector.shape_cast %swap3A_38 : vector<1x16xf32> to vector<16xf32>
        %swap3A_40 = vector.shape_cast %add3A_36 : vector<16xf32> to vector<1x16xf32>
        tpu.vector_store %arg9[%swap3A, %swap3A_37], %swap3A_40 {strides = array<i32>} : memref<80x256xf32, #tpu.memory_space<vmem>>, vector<1x16xf32>,
        %get3A_41 = arith.index_cast %scan3A_28 : i32 to index
        %get3A_42 = arith.constant 16 : index
        %get3A_43 = tpu.vector_load %arg9[%get3A_41, %get3A_42] {strides = array<i32>} : memref<80x256xf32, #tpu.memory_space<vmem>>, vector<1x16xf32>,
        %get3A_44 = vector.shape_cast %get3A_43 : vector<1x16xf32> to vector<16xf32>
        %get3A_45 = arith.index_cast %scan3A_28 : i32 to index
        %get3A_46 = arith.constant 16 : index
        %get3A_47 = tpu.vector_load %arg10[%get3A_45, %get3A_46] {strides = array<i32>} : memref<80x256xf32, #tpu.memory_space<vmem>>, vector<1x16xf32>,
        %get3A_48 = vector.shape_cast %get3A_47 : vector<1x16xf32> to vector<16xf32>
        %add3A_49 = arith.addf %get3A_44, %get3A_48 : vector<16xf32>
        %swap3A_50 = arith.index_cast %scan3A_28 : i32 to index
        %swap3A_51 = arith.constant 16 : index
        %swap3A_52 = tpu.vector_load %arg9[%swap3A_50, %swap3A_51] {strides = array<i32>} : memref<80x256xf32, #tpu.memory_space<vmem>>, vector<1x16xf32>,
        %swap3A_53 = vector.shape_cast %swap3A_52 : vector<1x16xf32> to vector<16xf32>
        %swap3A_54 = vector.shape_cast %add3A_49 : vector<16xf32> to vector<1x16xf32>
        tpu.vector_store %arg9[%swap3A_50, %swap3A_51], %swap3A_54 {strides = array<i32>} : memref<80x256xf32, #tpu.memory_space<vmem>>, vector<1x16xf32>,
        %get3A_55 = arith.index_cast %scan3A_28 : i32 to index
        %get3A_56 = arith.constant 32 : index
        %get3A_57 = tpu.vector_load %arg9[%get3A_55, %get3A_56] {strides = array<i32>} : memref<80x256xf32, #tpu.memory_space<vmem>>, vector<1x16xf32>,
        %get3A_58 = vector.shape_cast %get3A_57 : vector<1x16xf32> to vector<16xf32>
        %get3A_59 = arith.index_cast %scan3A_28 : i32 to index
        %get3A_60 = arith.constant 32 : index
        %get3A_61 = tpu.vector_load %arg10[%get3A_59, %get3A_60] {strides = array<i32>} : memref<80x256xf32, #tpu.memory_space<vmem>>, vector<1x16xf32>,
        %get3A_62 = vector.shape_cast %get3A_61 : vector<1x16xf32> to vector<16xf32>
        %add3A_63 = arith.addf %get3A_58, %get3A_62 : vector<16xf32>
        %swap3A_64 = arith.index_cast %scan3A_28 : i32 to index
        %swap3A_65 = arith.constant 32 : index
        %swap3A_66 = tpu.vector_load %arg9[%swap3A_64, %swap3A_65] {strides = array<i32>} : memref<80x256xf32, #tpu.memory_space<vmem>>, vector<1x16xf32>,
        %swap3A_67 = vector.shape_cast %swap3A_66 : vector<1x16xf32> to vector<16xf32>
        %swap3A_68 = vector.shape_cast %add3A_63 : vector<16xf32> to vector<1x16xf32>
        tpu.vector_store %arg9[%swap3A_64, %swap3A_65], %swap3A_68 {strides = array<i32>} : memref<80x256xf32, #tpu.memory_space<vmem>>, vector<1x16xf32>,
        %get3A_69 = arith.index_cast %scan3A_28 : i32 to index
        %get3A_70 = arith.constant 48 : index
        %get3A_71 = tpu.vector_load %arg9[%get3A_69, %get3A_70] {strides = array<i32>} : memref<80x256xf32, #tpu.memory_space<vmem>>, vector<1x16xf32>,
        %get3A_72 = vector.shape_cast %get3A_71 : vector<1x16xf32> to vector<16xf32>
        %get3A_73 = arith.index_cast %scan3A_28 : i32 to index
        %get3A_74 = arith.constant 48 : index
        %get3A_75 = tpu.vector_load %arg10[%get3A_73, %get3A_74] {strides = array<i32>} : memref<80x256xf32, #tpu.memory_space<vmem>>, vector<1x16xf32>,
        %get3A_76 = vector.shape_cast %get3A_75 : vector<1x16xf32> to vector<16xf32>
        %add3A_77 = arith.addf %get3A_72, %get3A_76 : vector<16xf32>
        %swap3A_78 = arith.index_cast %scan3A_28 : i32 to index
        %swap3A_79 = arith.constant 48 : index
        %swap3A_80 = tpu.vector_load %arg9[%swap3A_78, %swap3A_79] {strides = array<i32>} : memref<80x256xf32, #tpu.memory_space<vmem>>, vector<1x16xf32>,
        %swap3A_81 = vector.shape_cast %swap3A_80 : vector<1x16xf32> to vector<16xf32>
        %swap3A_82 = vector.shape_cast %add3A_77 : vector<16xf32> to vector<1x16xf32>
        tpu.vector_store %arg9[%swap3A_78, %swap3A_79], %swap3A_82 {strides = array<i32>} : memref<80x256xf32, #tpu.memory_space<vmem>>, vector<1x16xf32>,
        %get3A_83 = arith.index_cast %scan3A_28 : i32 to index
        %get3A_84 = arith.constant 64 : index
        %get3A_85 = tpu.vector_load %arg9[%get3A_83, %get3A_84] {strides = array<i32>} : memref<80x256xf32, #tpu.memory_space<vmem>>, vector<1x16xf32>,
        %get3A_86 = vector.shape_cast %get3A_85 : vector<1x16xf32> to vector<16xf32>
        %get3A_87 = arith.index_cast %scan3A_28 : i32 to index
        %get3A_88 = arith.constant 64 : index
        %get3A_89 = tpu.vector_load %arg10[%get3A_87, %get3A_88] {strides = array<i32>} : memref<80x256xf32, #tpu.memory_space<vmem>>, vector<1x16xf32>,
        %get3A_90 = vector.shape_cast %get3A_89 : vector<1x16xf32> to vector<16xf32>
        %add3A_91 = arith.addf %get3A_86, %get3A_90 : vector<16xf32>
        %swap3A_92 = arith.index_cast %scan3A_28 : i32 to index
        %swap3A_93 = arith.constant 64 : index
        %swap3A_94 = tpu.vector_load %arg9[%swap3A_92, %swap3A_93] {strides = array<i32>} : memref<80x256xf32, #tpu.memory_space<vmem>>, vector<1x16xf32>,
        %swap3A_95 = vector.shape_cast %swap3A_94 : vector<1x16xf32> to vector<16xf32>
        %swap3A_96 = vector.shape_cast %add3A_91 : vector<16xf32> to vector<1x16xf32>
        tpu.vector_store %arg9[%swap3A_92, %swap3A_93], %swap3A_96 {strides = array<i32>} : memref<80x256xf32, #tpu.memory_space<vmem>>, vector<1x16xf32>,
        %get3A_97 = arith.index_cast %scan3A_28 : i32 to index
        %get3A_98 = arith.constant 80 : index
        %get3A_99 = tpu.vector_load %arg9[%get3A_97, %get3A_98] {strides = array<i32>} : memref<80x256xf32, #tpu.memory_space<vmem>>, vector<1x16xf32>,
        %get3A_100 = vector.shape_cast %get3A_99 : vector<1x16xf32> to vector<16xf32>
        %get3A_101 = arith.index_cast %scan3A_28 : i32 to index
        %get3A_102 = arith.constant 80 : index
        %get3A_103 = tpu.vector_load %arg10[%get3A_101, %get3A_102] {strides = array<i32>} : memref<80x256xf32, #tpu.memory_space<vmem>>, vector<1x16xf32>,
        %get3A_104 = vector.shape_cast %get3A_103 : vector<1x16xf32> to vector<16xf32>
        %add3A_105 = arith.addf %get3A_100, %get3A_104 : vector<16xf32>
        %swap3A_106 = arith.index_cast %scan3A_28 : i32 to index
        %swap3A_107 = arith.constant 80 : index
        %swap3A_108 = tpu.vector_load %arg9[%swap3A_106, %swap3A_107] {strides = array<i32>} : memref<80x256xf32, #tpu.memory_space<vmem>>, vector<1x16xf32>,
        %swap3A_109 = vector.shape_cast %swap3A_108 : vector<1x16xf32> to vector<16xf32>
        %swap3A_110 = vector.shape_cast %add3A_105 : vector<16xf32> to vector<1x16xf32>
        tpu.vector_store %arg9[%swap3A_106, %swap3A_107], %swap3A_110 {strides = array<i32>} : memref<80x256xf32, #tpu.memory_space<vmem>>, vector<1x16xf32>,
        %get3A_111 = arith.index_cast %scan3A_28 : i32 to index
        %get3A_112 = arith.constant 96 : index
        %get3A_113 = tpu.vector_load %arg9[%get3A_111, %get3A_112] {strides = array<i32>} : memref<80x256xf32, #tpu.memory_space<vmem>>, vector<1x16xf32>,
        %get3A_114 = vector.shape_cast %get3A_113 : vector<1x16xf32> to vector<16xf32>
        %get3A_115 = arith.index_cast %scan3A_28 : i32 to index
        %get3A_116 = arith.constant 96 : index
        %get3A_117 = tpu.vector_load %arg10[%get3A_115, %get3A_116] {strides = array<i32>} : memref<80x256xf32, #tpu.memory_space<vmem>>, vector<1x16xf32>,
        %get3A_118 = vector.shape_cast %get3A_117 : vector<1x16xf32> to vector<16xf32>
        %add3A_119 = arith.addf %get3A_114, %get3A_118 : vector<16xf32>
        %swap3A_120 = arith.index_cast %scan3A_28 : i32 to index
        %swap3A_121 = arith.constant 96 : index
        %swap3A_122 = tpu.vector_load %arg9[%swap3A_120, %swap3A_121] {strides = array<i32>} : memref<80x256xf32, #tpu.memory_space<vmem>>, vector<1x16xf32>,
        %swap3A_123 = vector.shape_cast %swap3A_122 : vector<1x16xf32> to vector<16xf32>
        %swap3A_124 = vector.shape_cast %add3A_119 : vector<16xf32> to vector<1x16xf32>
        tpu.vector_store %arg9[%swap3A_120, %swap3A_121], %swap3A_124 {strides = array<i32>} : memref<80x256xf32, #tpu.memory_space<vmem>>, vector<1x16xf32>,
        %get3A_125 = arith.index_cast %scan3A_28 : i32 to index
        %get3A_126 = arith.constant 112 : index
        %get3A_127 = tpu.vector_load %arg9[%get3A_125, %get3A_126] {strides = array<i32>} : memref<80x256xf32, #tpu.memory_space<vmem>>, vector<1x16xf32>,
        %get3A_128 = vector.shape_cast %get3A_127 : vector<1x16xf32> to vector<16xf32>
        %get3A_129 = arith.index_cast %scan3A_28 : i32 to index
        %get3A_130 = arith.constant 112 : index
        %get3A_131 = tpu.vector_load %arg10[%get3A_129, %get3A_130] {strides = array<i32>} : memref<80x256xf32, #tpu.memory_space<vmem>>, vector<1x16xf32>,
        %get3A_132 = vector.shape_cast %get3A_131 : vector<1x16xf32> to vector<16xf32>
        %add3A_133 = arith.addf %get3A_128, %get3A_132 : vector<16xf32>
        %swap3A_134 = arith.index_cast %scan3A_28 : i32 to index
        %swap3A_135 = arith.constant 112 : index
        %swap3A_136 = tpu.vector_load %arg9[%swap3A_134, %swap3A_135] {strides = array<i32>} : memref<80x256xf32, #tpu.memory_space<vmem>>, vector<1x16xf32>,
        %swap3A_137 = vector.shape_cast %swap3A_136 : vector<1x16xf32> to vector<16xf32>
        %swap3A_138 = vector.shape_cast %add3A_133 : vector<16xf32> to vector<1x16xf32>
        tpu.vector_store %arg9[%swap3A_134, %swap3A_135], %swap3A_138 {strides = array<i32>} : memref<80x256xf32, #tpu.memory_space<vmem>>, vector<1x16xf32>,
        %get3A_139 = arith.index_cast %scan3A_28 : i32 to index
        %get3A_140 = arith.constant 128 : index
        %get3A_141 = tpu.vector_load %arg9[%get3A_139, %get3A_140] {strides = array<i32>} : memref<80x256xf32, #tpu.memory_space<vmem>>, vector<1x16xf32>,
        %get3A_142 = vector.shape_cast %get3A_141 : vector<1x16xf32> to vector<16xf32>
        %get3A_143 = arith.index_cast %scan3A_28 : i32 to index
        %get3A_144 = arith.constant 128 : index
        %get3A_145 = tpu.vector_load %arg10[%get3A_143, %get3A_144] {strides = array<i32>} : memref<80x256xf32, #tpu.memory_space<vmem>>, vector<1x16xf32>,
        %get3A_146 = vector.shape_cast %get3A_145 : vector<1x16xf32> to vector<16xf32>
        %add3A_147 = arith.addf %get3A_142, %get3A_146 : vector<16xf32>
        %swap3A_148 = arith.index_cast %scan3A_28 : i32 to index
        %swap3A_149 = arith.constant 128 : index
        %swap3A_150 = tpu.vector_load %arg9[%swap3A_148, %swap3A_149] {strides = array<i32>} : memref<80x256xf32, #tpu.memory_space<vmem>>, vector<1x16xf32>,
        %swap3A_151 = vector.shape_cast %swap3A_150 : vector<1x16xf32> to vector<16xf32>
        %swap3A_152 = vector.shape_cast %add3A_147 : vector<16xf32> to vector<1x16xf32>
        tpu.vector_store %arg9[%swap3A_148, %swap3A_149], %swap3A_152 {strides = array<i32>} : memref<80x256xf32, #tpu.memory_space<vmem>>, vector<1x16xf32>,
        %get3A_153 = arith.index_cast %scan3A_28 : i32 to index
        %get3A_154 = arith.constant 144 : index
        %get3A_155 = tpu.vector_load %arg9[%get3A_153, %get3A_154] {strides = array<i32>} : memref<80x256xf32, #tpu.memory_space<vmem>>, vector<1x16xf32>,
        %get3A_156 = vector.shape_cast %get3A_155 : vector<1x16xf32> to vector<16xf32>
        %get3A_157 = arith.index_cast %scan3A_28 : i32 to index
        %get3A_158 = arith.constant 144 : index
        %get3A_159 = tpu.vector_load %arg10[%get3A_157, %get3A_158] {strides = array<i32>} : memref<80x256xf32, #tpu.memory_space<vmem>>, vector<1x16xf32>,
        %get3A_160 = vector.shape_cast %get3A_159 : vector<1x16xf32> to vector<16xf32>
        %add3A_161 = arith.addf %get3A_156, %get3A_160 : vector<16xf32>
        %swap3A_162 = arith.index_cast %scan3A_28 : i32 to index
        %swap3A_163 = arith.constant 144 : index
        %swap3A_164 = tpu.vector_load %arg9[%swap3A_162, %swap3A_163] {strides = array<i32>} : memref<80x256xf32, #tpu.memory_space<vmem>>, vector<1x16xf32>,
        %swap3A_165 = vector.shape_cast %swap3A_164 : vector<1x16xf32> to vector<16xf32>
        %swap3A_166 = vector.shape_cast %add3A_161 : vector<16xf32> to vector<1x16xf32>
        tpu.vector_store %arg9[%swap3A_162, %swap3A_163], %swap3A_166 {strides = array<i32>} : memref<80x256xf32, #tpu.memory_space<vmem>>, vector<1x16xf32>,
        %get3A_167 = arith.index_cast %scan3A_28 : i32 to index
        %get3A_168 = arith.constant 160 : index
        %get3A_169 = tpu.vector_load %arg9[%get3A_167, %get3A_168] {strides = array<i32>} : memref<80x256xf32, #tpu.memory_space<vmem>>, vector<1x16xf32>,
        %get3A_170 = vector.shape_cast %get3A_169 : vector<1x16xf32> to vector<16xf32>
        %get3A_171 = arith.index_cast %scan3A_28 : i32 to index
        %get3A_172 = arith.constant 160 : index
        %get3A_173 = tpu.vector_load %arg10[%get3A_171, %get3A_172] {strides = array<i32>} : memref<80x256xf32, #tpu.memory_space<vmem>>, vector<1x16xf32>,
        %get3A_174 = vector.shape_cast %get3A_173 : vector<1x16xf32> to vector<16xf32>
        %add3A_175 = arith.addf %get3A_170, %get3A_174 : vector<16xf32>
        %swap3A_176 = arith.index_cast %scan3A_28 : i32 to index
        %swap3A_177 = arith.constant 160 : index
        %swap3A_178 = tpu.vector_load %arg9[%swap3A_176, %swap3A_177] {strides = array<i32>} : memref<80x256xf32, #tpu.memory_space<vmem>>, vector<1x16xf32>,
        %swap3A_179 = vector.shape_cast %swap3A_178 : vector<1x16xf32> to vector<16xf32>
        %swap3A_180 = vector.shape_cast %add3A_175 : vector<16xf32> to vector<1x16xf32>
        tpu.vector_store %arg9[%swap3A_176, %swap3A_177], %swap3A_180 {strides = array<i32>} : memref<80x256xf32, #tpu.memory_space<vmem>>, vector<1x16xf32>,
        %get3A_181 = arith.index_cast %scan3A_28 : i32 to index
        %get3A_182 = arith.constant 176 : index
        %get3A_183 = tpu.vector_load %arg9[%get3A_181, %get3A_182] {strides = array<i32>} : memref<80x256xf32, #tpu.memory_space<vmem>>, vector<1x16xf32>,
        %get3A_184 = vector.shape_cast %get3A_183 : vector<1x16xf32> to vector<16xf32>
        %get3A_185 = arith.index_cast %scan3A_28 : i32 to index
        %get3A_186 = arith.constant 176 : index
        %get3A_187 = tpu.vector_load %arg10[%get3A_185, %get3A_186] {strides = array<i32>} : memref<80x256xf32, #tpu.memory_space<vmem>>, vector<1x16xf32>,
        %get3A_188 = vector.shape_cast %get3A_187 : vector<1x16xf32> to vector<16xf32>
        %add3A_189 = arith.addf %get3A_184, %get3A_188 : vector<16xf32>
        %swap3A_190 = arith.index_cast %scan3A_28 : i32 to index
        %swap3A_191 = arith.constant 176 : index
        %swap3A_192 = tpu.vector_load %arg9[%swap3A_190, %swap3A_191] {strides = array<i32>} : memref<80x256xf32, #tpu.memory_space<vmem>>, vector<1x16xf32>,
        %swap3A_193 = vector.shape_cast %swap3A_192 : vector<1x16xf32> to vector<16xf32>
        %swap3A_194 = vector.shape_cast %add3A_189 : vector<16xf32> to vector<1x16xf32>
        tpu.vector_store %arg9[%swap3A_190, %swap3A_191], %swap3A_194 {strides = array<i32>} : memref<80x256xf32, #tpu.memory_space<vmem>>, vector<1x16xf32>,
        %get3A_195 = arith.index_cast %scan3A_28 : i32 to index
        %get3A_196 = arith.constant 192 : index
        %get3A_197 = tpu.vector_load %arg9[%get3A_195, %get3A_196] {strides = array<i32>} : memref<80x256xf32, #tpu.memory_space<vmem>>, vector<1x16xf32>,
        %get3A_198 = vector.shape_cast %get3A_197 : vector<1x16xf32> to vector<16xf32>
        %get3A_199 = arith.index_cast %scan3A_28 : i32 to index
        %get3A_200 = arith.constant 192 : index
        %get3A_201 = tpu.vector_load %arg10[%get3A_199, %get3A_200] {strides = array<i32>} : memref<80x256xf32, #tpu.memory_space<vmem>>, vector<1x16xf32>,
        %get3A_202 = vector.shape_cast %get3A_201 : vector<1x16xf32> to vector<16xf32>
        %add3A_203 = arith.addf %get3A_198, %get3A_202 : vector<16xf32>
        %swap3A_204 = arith.index_cast %scan3A_28 : i32 to index
        %swap3A_205 = arith.constant 192 : index
        %swap3A_206 = tpu.vector_load %arg9[%swap3A_204, %swap3A_205] {strides = array<i32>} : memref<80x256xf32, #tpu.memory_space<vmem>>, vector<1x16xf32>,
        %swap3A_207 = vector.shape_cast %swap3A_206 : vector<1x16xf32> to vector<16xf32>
        %swap3A_208 = vector.shape_cast %add3A_203 : vector<16xf32> to vector<1x16xf32>
        tpu.vector_store %arg9[%swap3A_204, %swap3A_205], %swap3A_208 {strides = array<i32>} : memref<80x256xf32, #tpu.memory_space<vmem>>, vector<1x16xf32>,
        %get3A_209 = arith.index_cast %scan3A_28 : i32 to index
        %get3A_210 = arith.constant 208 : index
        %get3A_211 = tpu.vector_load %arg9[%get3A_209, %get3A_210] {strides = array<i32>} : memref<80x256xf32, #tpu.memory_space<vmem>>, vector<1x16xf32>,
        %get3A_212 = vector.shape_cast %get3A_211 : vector<1x16xf32> to vector<16xf32>
        %get3A_213 = arith.index_cast %scan3A_28 : i32 to index
        %get3A_214 = arith.constant 208 : index
        %get3A_215 = tpu.vector_load %arg10[%get3A_213, %get3A_214] {strides = array<i32>} : memref<80x256xf32, #tpu.memory_space<vmem>>, vector<1x16xf32>,
        %get3A_216 = vector.shape_cast %get3A_215 : vector<1x16xf32> to vector<16xf32>
        %add3A_217 = arith.addf %get3A_212, %get3A_216 : vector<16xf32>
        %swap3A_218 = arith.index_cast %scan3A_28 : i32 to index
        %swap3A_219 = arith.constant 208 : index
        %swap3A_220 = tpu.vector_load %arg9[%swap3A_218, %swap3A_219] {strides = array<i32>} : memref<80x256xf32, #tpu.memory_space<vmem>>, vector<1x16xf32>,
        %swap3A_221 = vector.shape_cast %swap3A_220 : vector<1x16xf32> to vector<16xf32>
        %swap3A_222 = vector.shape_cast %add3A_217 : vector<16xf32> to vector<1x16xf32>
        tpu.vector_store %arg9[%swap3A_218, %swap3A_219], %swap3A_222 {strides = array<i32>} : memref<80x256xf32, #tpu.memory_space<vmem>>, vector<1x16xf32>,
        %get3A_223 = arith.index_cast %scan3A_28 : i32 to index
        %get3A_224 = arith.constant 224 : index
        %get3A_225 = tpu.vector_load %arg9[%get3A_223, %get3A_224] {strides = array<i32>} : memref<80x256xf32, #tpu.memory_space<vmem>>, vector<1x16xf32>,
        %get3A_226 = vector.shape_cast %get3A_225 : vector<1x16xf32> to vector<16xf32>
        %get3A_227 = arith.index_cast %scan3A_28 : i32 to index
        %get3A_228 = arith.constant 224 : index
        %get3A_229 = tpu.vector_load %arg10[%get3A_227, %get3A_228] {strides = array<i32>} : memref<80x256xf32, #tpu.memory_space<vmem>>, vector<1x16xf32>,
        %get3A_230 = vector.shape_cast %get3A_229 : vector<1x16xf32> to vector<16xf32>
        %add3A_231 = arith.addf %get3A_226, %get3A_230 : vector<16xf32>
        %swap3A_232 = arith.index_cast %scan3A_28 : i32 to index
        %swap3A_233 = arith.constant 224 : index
        %swap3A_234 = tpu.vector_load %arg9[%swap3A_232, %swap3A_233] {strides = array<i32>} : memref<80x256xf32, #tpu.memory_space<vmem>>, vector<1x16xf32>,
        %swap3A_235 = vector.shape_cast %swap3A_234 : vector<1x16xf32> to vector<16xf32>
        %swap3A_236 = vector.shape_cast %add3A_231 : vector<16xf32> to vector<1x16xf32>
        tpu.vector_store %arg9[%swap3A_232, %swap3A_233], %swap3A_236 {strides = array<i32>} : memref<80x256xf32, #tpu.memory_space<vmem>>, vector<1x16xf32>,
        %get3A_237 = arith.index_cast %scan3A_28 : i32 to index
        %get3A_238 = arith.constant 240 : index
        %get3A_239 = tpu.vector_load %arg9[%get3A_237, %get3A_238] {strides = array<i32>} : memref<80x256xf32, #tpu.memory_space<vmem>>, vector<1x16xf32>,
        %get3A_240 = vector.shape_cast %get3A_239 : vector<1x16xf32> to vector<16xf32>
        %get3A_241 = arith.index_cast %scan3A_28 : i32 to index
        %get3A_242 = arith.constant 240 : index
        %get3A_243 = tpu.vector_load %arg10[%get3A_241, %get3A_242] {strides = array<i32>} : memref<80x256xf32, #tpu.memory_space<vmem>>, vector<1x16xf32>,
        %get3A_244 = vector.shape_cast %get3A_243 : vector<1x16xf32> to vector<16xf32>
        %add3A_245 = arith.addf %get3A_240, %get3A_244 : vector<16xf32>
        %swap3A_246 = arith.index_cast %scan3A_28 : i32 to index
        %swap3A_247 = arith.constant 240 : index
        %swap3A_248 = tpu.vector_load %arg9[%swap3A_246, %swap3A_247] {strides = array<i32>} : memref<80x256xf32, #tpu.memory_space<vmem>>, vector<1x16xf32>,
        %swap3A_249 = vector.shape_cast %swap3A_248 : vector<1x16xf32> to vector<16xf32>
        %swap3A_250 = vector.shape_cast %add3A_245 : vector<16xf32> to vector<1x16xf32>
        tpu.vector_store %arg9[%swap3A_246, %swap3A_247], %swap3A_250 {strides = array<i32>} : memref<80x256xf32, #tpu.memory_space<vmem>>, vector<1x16xf32>,
      }
      %scan3A_27 = arith.constant 80 : i32
      "tpu.region"() ({
        %run_scoped3A = tpu.sem_alloc : memref<!tpu.dma_semaphore, #tpu.memory_space<semaphore_mem>>
        %dma_start3A_28 = arith.constant 0 : i32
        %dma_start3A_29 = tpu.memref_slice %arg6[%multiple_of3A, %dma_start3A_28] : memref<320000x256xf32, #tpu.memory_space<hbm>> -> memref<80x256xf32, #tpu.memory_space<hbm>>
        %dma_start3A_30 = arith.constant 0 : i32
        %dma_start3A_31 = tpu.memref_slice %arg6[%multiple_of3A, %dma_start3A_30] : memref<320000x256xf32, #tpu.memory_space<hbm>> -> memref<80x256xf32, #tpu.memory_space<hbm>>
        tpu.enqueue_dma source(%arg9 : memref<80x256xf32, #tpu.memory_space<vmem>>) target(%dma_start3A_31 : memref<80x256xf32, #tpu.memory_space<hbm>>) target_semaphore(%run_scoped3A : memref<!tpu.dma_semaphore, #tpu.memory_space<semaphore_mem>>)
        %dma_wait3A_32 = arith.constant 0 : i32
        %dma_wait3A_33 = tpu.memref_slice %arg6[%multiple_of3A, %dma_wait3A_32] : memref<320000x256xf32, #tpu.memory_space<hbm>> -> memref<80x256xf32, #tpu.memory_space<hbm>>
        %dma_wait3A_34 = arith.constant 0 : i32
        %dma_wait3A_35 = tpu.memref_slice %arg6[%multiple_of3A, %dma_wait3A_34] : memref<320000x256xf32, #tpu.memory_space<hbm>> -> memref<80x256xf32, #tpu.memory_space<hbm>>
        tpu.wait_dma2 semaphore(%run_scoped3A : memref<!tpu.dma_semaphore, #tpu.memory_space<semaphore_mem>>) src(%arg9 : memref<80x256xf32, #tpu.memory_space<vmem>>) dst(%dma_wait3A_35 : memref<80x256xf32, #tpu.memory_space<hbm>>)
        tpu.yield
      }) : () -> ()
    }
    %scan3A_5 = arith.constant 125 : i32
    return
  }
}

module attributes {stable_mosaic.version = 14 : i64} {
  func.func @_apply_body(%arg0: i32, %arg1: memref<1000x128xf32, #tpu.memory_space<vmem>>, %arg2: memref<2x1000x16xf32, #tpu.memory_space<vmem>>, %arg3: memref<2x1000x16xf32, #tpu.memory_space<vmem>>, %arg4: memref<128x128xf32, #tpu.memory_space<vmem>>, %arg5: memref<128x16xf32, #tpu.memory_space<vmem>>, %arg6: memref<1x128xf32, #tpu.memory_space<vmem>>, %arg7: memref<256x128xf32, #tpu.memory_space<vmem>>, %arg8: memref<256x128xf32, #tpu.memory_space<vmem>>, %arg9: memref<1x256xf32, #tpu.memory_space<vmem>>, %arg10: memref<1000x128xf32, #tpu.memory_space<vmem>>, %arg11: memref<1000x256xf32, #tpu.memory_space<vmem>>, %arg12: memref<1000x256xf32, #tpu.memory_space<vmem>>) attributes {dimension_semantics = [#tpu.dimension_semantics<arbitrary>], iteration_bounds = array<i64: 10>, scalar_prefetch = 0 : i64, scratch_operands = 0 : i64, tpu.core_type = #tpu.core_type<tc>, window_params = [{transform_indices = @transform_0, window_bounds = array<i64: 1000, 128>}, {transform_indices = @transform_1, window_bounds = array<i64: 2, 1000, 16>}, {transform_indices = @transform_2, window_bounds = array<i64: 2, 1000, 16>}, {pipeline_mode = #tpu.pipeline_mode<synchronous>, transform_indices = @transform_3, window_bounds = array<i64: 128, 128>}, {pipeline_mode = #tpu.pipeline_mode<synchronous>, transform_indices = @transform_4, window_bounds = array<i64: 128, 16>}, {pipeline_mode = #tpu.pipeline_mode<synchronous>, transform_indices = @transform_5, window_bounds = array<i64: 1, 128>}, {pipeline_mode = #tpu.pipeline_mode<synchronous>, transform_indices = @transform_6, window_bounds = array<i64: 256, 128>}, {pipeline_mode = #tpu.pipeline_mode<synchronous>, transform_indices = @transform_7, window_bounds = array<i64: 256, 128>}, {pipeline_mode = #tpu.pipeline_mode<synchronous>, transform_indices = @transform_8, window_bounds = array<i64: 1, 256>}, {transform_indices = @transform_9, window_bounds = array<i64: 1000, 128>}, {transform_indices = @transform_10, window_bounds = array<i64: 1000, 256>}, {transform_indices = @transform_11, window_bounds = array<i64: 1000, 256>}]} {
    %get3A = arith.constant 0 : index
    %get3A_0 = arith.constant 0 : index
    %get3A_1 = arith.constant 0 : index
    %get3A_2 = vector.load %arg2[%get3A, %get3A_0, %get3A_1] : memref<2x1000x16xf32, #tpu.memory_space<vmem>>, vector<1x1000x16xf32>
    %get3A_3 = vector.shape_cast %get3A_2 : vector<1x1000x16xf32> to vector<1000x16xf32>
    %get3A_4 = arith.constant 1 : index
    %get3A_5 = arith.constant 0 : index
    %get3A_6 = arith.constant 0 : index
    %get3A_7 = vector.load %arg2[%get3A_4, %get3A_5, %get3A_6] : memref<2x1000x16xf32, #tpu.memory_space<vmem>>, vector<1x1000x16xf32>
    %get3A_8 = vector.shape_cast %get3A_7 : vector<1x1000x16xf32> to vector<1000x16xf32>
    %add3A = arith.addf %get3A_3, %get3A_8 : vector<1000x16xf32>
    %get3A_9 = arith.constant 0 : index
    %get3A_10 = arith.constant 0 : index
    %get3A_11 = arith.constant 0 : index
    %get3A_12 = vector.load %arg3[%get3A_9, %get3A_10, %get3A_11] : memref<2x1000x16xf32, #tpu.memory_space<vmem>>, vector<1x1000x1xf32>
    %get3A_13 = vector.shape_cast %get3A_12 : vector<1x1000x1xf32> to vector<1000x1xf32>
    %get3A_14 = arith.constant 1 : index
    %get3A_15 = arith.constant 0 : index
    %get3A_16 = arith.constant 0 : index
    %get3A_17 = vector.load %arg3[%get3A_14, %get3A_15, %get3A_16] : memref<2x1000x16xf32, #tpu.memory_space<vmem>>, vector<1x1000x1xf32>
    %get3A_18 = vector.shape_cast %get3A_17 : vector<1x1000x1xf32> to vector<1000x1xf32>
    %add3A_19 = arith.addf %get3A_13, %get3A_18 : vector<1000x1xf32>
    %max3A = arith.constant 1.000000e+00 : f32
    %max3A_20 = vector.broadcast %max3A : f32 to vector<1000x1xf32>
    %max3A_21 = arith.maximumf %add3A_19, %max3A_20 : vector<1000x1xf32>
    %div3A = vector.broadcast %max3A_21 : vector<1000x1xf32> to vector<1000x16xf32>
    %div3A_22 = arith.divf %add3A, %div3A : vector<1000x16xf32>
    %get3A_23 = arith.constant 0 : index
    %get3A_24 = arith.constant 0 : index
    %get3A_25 = vector.load %arg1[%get3A_23, %get3A_24] : memref<1000x128xf32, #tpu.memory_space<vmem>>, vector<1000x128xf32>
    %get3A_26 = arith.constant 0 : index
    %get3A_27 = arith.constant 0 : index
    %get3A_28 = vector.load %arg4[%get3A_26, %get3A_27] : memref<128x128xf32, #tpu.memory_space<vmem>>, vector<128x128xf32>
    %dot_general3A = arith.constant dense<0.000000e+00> : vector<1000x128xf32>
    %dot_general3A_29 = tpu.matmul %get3A_25, %get3A_28, %dot_general3A {dimension_numbers = #tpu.dot_dimension_numbers<[1], [1], [0], [0], [0, 0, 1, 0], [], []>, transpose_lhs_hint = false} : vector<1000x128xf32>, vector<128x128xf32>, vector<1000x128xf32> -> vector<1000x128xf32>
    %get3A_30 = arith.constant 0 : index
    %get3A_31 = arith.constant 0 : index
    %get3A_32 = vector.load %arg5[%get3A_30, %get3A_31] : memref<128x16xf32, #tpu.memory_space<vmem>>, vector<128x16xf32>
    %dot_general3A_33 = arith.constant dense<0.000000e+00> : vector<1000x128xf32>
    %dot_general3A_34 = tpu.matmul %div3A_22, %get3A_32, %dot_general3A_33 {dimension_numbers = #tpu.dot_dimension_numbers<[1], [1], [0], [0], [0, 0, 1, 0], [], []>, transpose_lhs_hint = false} : vector<1000x16xf32>, vector<128x16xf32>, vector<1000x128xf32> -> vector<1000x128xf32>
    %add3A_35 = arith.addf %dot_general3A_29, %dot_general3A_34 : vector<1000x128xf32>
    %get3A_36 = arith.constant 0 : index
    %get3A_37 = arith.constant 0 : index
    %get3A_38 = vector.load %arg6[%get3A_36, %get3A_37] : memref<1x128xf32, #tpu.memory_space<vmem>>, vector<1x128xf32>
    %add3A_39 = vector.broadcast %get3A_38 : vector<1x128xf32> to vector<1000x128xf32>
    %add3A_40 = arith.addf %add3A_35, %add3A_39 : vector<1000x128xf32>
    %max3A_41 = arith.constant 0.000000e+00 : f32
    %max3A_42 = vector.broadcast %max3A_41 : f32 to vector<1000x128xf32>
    %max3A_43 = arith.maximumf %add3A_40, %max3A_42 : vector<1000x128xf32>
    %swap3A = arith.constant 0 : index
    %swap3A_44 = arith.constant 0 : index
    %swap3A_45 = vector.load %arg10[%swap3A, %swap3A_44] : memref<1000x128xf32, #tpu.memory_space<vmem>>, vector<1000x128xf32>
    tpu.vector_store %arg10[%swap3A, %swap3A_44], %max3A_43 {strides = array<i32>} : memref<1000x128xf32, #tpu.memory_space<vmem>>, vector<1000x128xf32>,
    %get3A_46 = arith.constant 0 : index
    %get3A_47 = arith.constant 0 : index
    %get3A_48 = vector.load %arg7[%get3A_46, %get3A_47] : memref<256x128xf32, #tpu.memory_space<vmem>>, vector<256x128xf32>
    %dot_general3A_49 = arith.constant dense<0.000000e+00> : vector<1000x256xf32>
    %dot_general3A_50 = tpu.matmul %max3A_43, %get3A_48, %dot_general3A_49 {dimension_numbers = #tpu.dot_dimension_numbers<[1], [1], [0], [0], [0, 0, 1, 0], [], []>, transpose_lhs_hint = false} : vector<1000x128xf32>, vector<256x128xf32>, vector<1000x256xf32> -> vector<1000x256xf32>
    %get3A_51 = arith.constant 0 : index
    %get3A_52 = arith.constant 0 : index
    %get3A_53 = vector.load %arg9[%get3A_51, %get3A_52] : memref<1x256xf32, #tpu.memory_space<vmem>>, vector<1x256xf32>
    %add3A_54 = vector.broadcast %get3A_53 : vector<1x256xf32> to vector<1000x256xf32>
    %add3A_55 = arith.addf %dot_general3A_50, %add3A_54 : vector<1000x256xf32>
    %swap3A_56 = arith.constant 0 : index
    %swap3A_57 = arith.constant 0 : index
    %swap3A_58 = vector.load %arg11[%swap3A_56, %swap3A_57] : memref<1000x256xf32, #tpu.memory_space<vmem>>, vector<1000x256xf32>
    tpu.vector_store %arg11[%swap3A_56, %swap3A_57], %add3A_55 {strides = array<i32>} : memref<1000x256xf32, #tpu.memory_space<vmem>>, vector<1000x256xf32>,
    %get3A_59 = arith.constant 0 : index
    %get3A_60 = arith.constant 0 : index
    %get3A_61 = vector.load %arg8[%get3A_59, %get3A_60] : memref<256x128xf32, #tpu.memory_space<vmem>>, vector<256x128xf32>
    %dot_general3A_62 = arith.constant dense<0.000000e+00> : vector<1000x256xf32>
    %dot_general3A_63 = tpu.matmul %max3A_43, %get3A_61, %dot_general3A_62 {dimension_numbers = #tpu.dot_dimension_numbers<[1], [1], [0], [0], [0, 0, 1, 0], [], []>, transpose_lhs_hint = false} : vector<1000x128xf32>, vector<256x128xf32>, vector<1000x256xf32> -> vector<1000x256xf32>
    %swap3A_64 = arith.constant 0 : index
    %swap3A_65 = arith.constant 0 : index
    %swap3A_66 = vector.load %arg12[%swap3A_64, %swap3A_65] : memref<1000x256xf32, #tpu.memory_space<vmem>>, vector<1000x256xf32>
    tpu.vector_store %arg12[%swap3A_64, %swap3A_65], %dot_general3A_63 {strides = array<i32>} : memref<1000x256xf32, #tpu.memory_space<vmem>>, vector<1000x256xf32>,
    return
  }
  func.func @transform_0(%arg0: i32) -> (i32, i32) {
    %c0_i32 = arith.constant 0 : i32
    %c0_i32_0 = arith.constant 0 : i32
    return %arg0, %c0_i32 : i32, i32
  }
  func.func @transform_1(%arg0: i32) -> (i32, i32, i32) {
    %c0_i32 = arith.constant 0 : i32
    %c0_i32_0 = arith.constant 0 : i32
    %c0_i32_1 = arith.constant 0 : i32
    return %c0_i32, %arg0, %c0_i32_0 : i32, i32, i32
  }
  func.func @transform_2(%arg0: i32) -> (i32, i32, i32) {
    %c0_i32 = arith.constant 0 : i32
    %c0_i32_0 = arith.constant 0 : i32
    %c0_i32_1 = arith.constant 0 : i32
    return %c0_i32, %arg0, %c0_i32_0 : i32, i32, i32
  }
  func.func @transform_3(%arg0: i32) -> (i32, i32) {
    %c0_i32 = arith.constant 0 : i32
    %c0_i32_0 = arith.constant 0 : i32
    %c0_i32_1 = arith.constant 0 : i32
    return %c0_i32, %c0_i32_0 : i32, i32
  }
  func.func @transform_4(%arg0: i32) -> (i32, i32) {
    %c0_i32 = arith.constant 0 : i32
    %c0_i32_0 = arith.constant 0 : i32
    %c0_i32_1 = arith.constant 0 : i32
    return %c0_i32, %c0_i32_0 : i32, i32
  }
  func.func @transform_5(%arg0: i32) -> (i32, i32) {
    %c0_i32 = arith.constant 0 : i32
    %c0_i32_0 = arith.constant 0 : i32
    %c0_i32_1 = arith.constant 0 : i32
    return %c0_i32, %c0_i32_0 : i32, i32
  }
  func.func @transform_6(%arg0: i32) -> (i32, i32) {
    %c0_i32 = arith.constant 0 : i32
    %c0_i32_0 = arith.constant 0 : i32
    %c0_i32_1 = arith.constant 0 : i32
    return %c0_i32, %c0_i32_0 : i32, i32
  }
  func.func @transform_7(%arg0: i32) -> (i32, i32) {
    %c0_i32 = arith.constant 0 : i32
    %c0_i32_0 = arith.constant 0 : i32
    %c0_i32_1 = arith.constant 0 : i32
    return %c0_i32, %c0_i32_0 : i32, i32
  }
  func.func @transform_8(%arg0: i32) -> (i32, i32) {
    %c0_i32 = arith.constant 0 : i32
    %c0_i32_0 = arith.constant 0 : i32
    %c0_i32_1 = arith.constant 0 : i32
    return %c0_i32, %c0_i32_0 : i32, i32
  }
  func.func @transform_9(%arg0: i32) -> (i32, i32) {
    %c0_i32 = arith.constant 0 : i32
    %c0_i32_0 = arith.constant 0 : i32
    return %arg0, %c0_i32 : i32, i32
  }
  func.func @transform_10(%arg0: i32) -> (i32, i32) {
    %c0_i32 = arith.constant 0 : i32
    %c0_i32_0 = arith.constant 0 : i32
    return %arg0, %c0_i32 : i32, i32
  }
  func.func @transform_11(%arg0: i32) -> (i32, i32) {
    %c0_i32 = arith.constant 0 : i32
    %c0_i32_0 = arith.constant 0 : i32
    return %arg0, %c0_i32 : i32, i32
  }
}

</mosaic_0001>

<sc_bundles>
// kernel: kernel.5.cloned.1.call-start
scs
__scs_entry_jumppad:
0x0: {  	(pc) =	sbr.rel $0x88, $3  }
0x1: {  	(tag) =	ssettag $0x0;
	lr =	simm.s32 $0x1  }
0x2: {  	[smem:$0x3F9A] =	sst lr;
	_ =	strace $0xD0000000  }
0x3: {  	_ = 	snop  }
0x4: {  	_ = 	snop  }
0x5: {  	_ = 	snop  }
0x6: {  	_ = 	snop  }
0x7: {  	_ = 	snop  }
__scs_overlays_trampoline_lowered:
0x8: {  	[smem:$0x3FA9] =	sst s0  }
0x9: {  	[smem:$0x3FAA] =	sst s1  }
0xa: {  	[smem:$0x3FAB] =	sst s2  }
0xb: {  	[smem:$0x3FAC] =	sst s3  }
0xc: {  	[smem:$0x3FAD] =	sst s4  }
0xd: {  	[smem:$0x3FAE] =	sst s5  }
0xe: {  	[smem:$0x3FAF] =	sst s6  }
0xf: {  	[smem:$0x3FB0] =	sst s7  }
0x10: {  	[smem:$0x3FB1] =	sst s8  }
0x11: {  	[smem:$0x3FB2] =	sst s9;
	s0 =	simm.s32 @!p0 $0x0  }
0x12: {  	s1 =	sld [smem:$0x3F98];
	s0 =	simm.s32 @p0 $0x1  }
0x13: {  	[smem:$0x3FB3] =	sst s0;
	s0 =	simm.s32 @!p1 $0x0  }
0x14: {  	s2 =	sld [smem:$0x3F97];
	s0 =	simm.s32 @p1 $0x1  }
0x15: {  	[smem:$0x3FB4] =	sst s0;
	s0 =	simm.s32 @!p2 $0x0  }
0x16: {  	s3 =	sld [smem:$0x3FDB];
	s0 =	simm.s32 @p2 $0x1  }
0x17: {  	s4 =	simm.s32 $0x1BF5;
	[smem:$0x3FB6] =	sst s0  }
0x18: {  	s0 =	sld [smem:$0x3F99];
	_ =	swait.ge [sflag:s4], $0x0  }
0x19: {  	s7 =	sld [smem:$0x3F9A]  }
0x1a: {  	s8 =	sadd.s32 $0xFFFFE003, lr  }
0x1b: {  	s9 =	sadd.s32 $0xFFFFFEF7, lr;
	s5 =	simm.s32 $0xFFFFFFFF;
	p2 =	slt.u32 s8, $0xFFFFF086  }
0x1c: {  	p1 =	slt.u32 s9, $0xF7A;
	s5 =	simm.s32 @!p2 $0x0  }
0x1d: {  	s5 =	simm.s32 @p1 $0x1;
	p0 =	seq.s32 s7, s2  }
0x1e: {  	s7 =	smul.u32 @!p0 $0xF7A, s2;
	p2 =	seq.s32 @!p0 s5, $0x0  }
0x1f: {  	s9 =	smul.u32 $0xF7A, s1;
	s8 =	simm.s32 @!p0 $0x1BF5;
	p2 =	por !p2, p0  }
0x20: {  	[sflag:s8] =	ssyncset.s32 @!p0 $0xFFFFF086;
	s6 =	sadd.s32 @!p0 s3, s7;
	s7 =	simm.s32 @!p0 $0x108  }
0x21: {  	s3 =	sadd.s32 s3, s9;
	s6 =	sadd.s32 @!p0 $0x88, s6;
	s7 =	simm.s32 @p2 $0x1082  }
0x22: {  	[simem:s7], [sflag:s8] =	dma.local @!p0 [hbm:s6], $0xF7A  }
0x23: {  	s9 =	sor.u32 $0xD0000000, s2;
	s6 =	simm.s32 $0x108;
	_ =	swait.ge @!p0 [sflag:s8], $0x0  }
0x24: {  	s3 =	sadd.s32 $0x88, s3;
	s6 =	simm.s32 @!p1 $0x1082;
	[sflag:s4] =	ssyncset.s32 $0xFFFFF086  }
0x25: {  	[simem:s6], [sflag:s4] =	dma.local [hbm:s3], $0xF7A  }
0x26: {  	[smem:$0x3F9A] =	sst s1;
	(tag) =	ssettag s2;
	_ =	strace s9  }
0x27: {  	s1 =	sld [smem:$0x3FAA]  }
0x28: {  	s2 =	sld [smem:$0x3FAB]  }
0x29: {  	s4 =	sld [smem:$0x3FAD]  }
0x2a: {  	p0 =	seq.s32 s5, $0x0;
	s5 =	sld [smem:$0x3FAE]  }
0x2b: {  	s6 =	sld [smem:$0x3FAF]  }
0x2c: {  	s7 =	sld [smem:$0x3FB0]  }
0x2d: {  	s3 =	simm.s32 $0x108;
	s8 =	sld [smem:$0x3FB1]  }
0x2e: {  	s3 =	simm.s32 @!p0 $0x1082;
	s9 =	sld [smem:$0x3FB2]  }
0x2f: {  	lr =	sadd.s32 s0, s3;
	s0 =	sld [smem:$0x3FA9]  }
0x30: {  	s3 =	sld [smem:$0x3FAC]  }
0x31: {  	[smem:$0x3FB5] =	sst s10  }
0x32: {  	s10 =	sld [smem:$0x3FB3];
	_ =	sdelay $0x3  }
0x33: {  	p0 =	seq.s32 s10, $0x1;
	s10 =	sld [smem:$0x3FB5];
	_ =	sdelay $0x3  }
0x34: {  	[smem:$0x3FB5] =	sst s10  }
0x35: {  	s10 =	sld [smem:$0x3FB4];
	_ =	sdelay $0x3  }
0x36: {  	p1 =	seq.s32 s10, $0x1;
	s10 =	sld [smem:$0x3FB5];
	_ =	sdelay $0x3  }
0x37: {  	[smem:$0x3FB5] =	sst s10  }
0x38: {  	s10 =	sld [smem:$0x3FB6]  }
0x39: {  	_ = 	snop;
	(pc) =	sbr.ind lr, $3  }
0x3a: {  	_ = 	snop  }
0x3b: {  	_ = 	snop  }
0x3c: {  	p2 =	seq.s32 s10, $0x1;
	s10 =	sld [smem:$0x3FB5]  }
0x3d: {  	_ =	shalt  }
0x3e: {  	_ =	shalt  }
0x3f: {  	_ =	shalt  }
0x40: {  	_ =	shalt  }
0x41: {  	_ =	shalt  }
0x42: {  	_ =	shalt  }
0x43: {  	_ =	shalt  }
0x44: {  	_ =	shalt  }
0x45: {  	_ =	shalt  }
0x46: {  	_ =	shalt  }
0x47: {  	_ =	shalt  }
0x48: {  	_ =	shalt  }
0x49: {  	_ =	shalt  }
0x4a: {  	_ =	shalt  }
0x4b: {  	_ =	shalt  }
0x4c: {  	_ =	shalt  }
0x4d: {  	_ =	shalt  }
0x4e: {  	_ =	shalt  }
0x4f: {  	_ =	shalt  }
0x50: {  	_ =	shalt  }
0x51: {  	_ =	shalt  }
0x52: {  	_ =	shalt  }
0x53: {  	_ =	shalt  }
0x54: {  	_ =	shalt  }
0x55: {  	_ =	shalt  }
0x56: {  	_ =	shalt  }
0x57: {  	_ =	shalt  }
0x58: {  	_ =	shalt  }
0x59: {  	_ =	shalt  }
0x5a: {  	_ =	shalt  }
0x5b: {  	_ =	shalt  }
0x5c: {  	_ =	shalt  }
0x5d: {  	_ =	shalt  }
0x5e: {  	_ =	shalt  }
0x5f: {  	_ =	shalt  }
0x60: {  	_ =	shalt  }
0x61: {  	_ =	shalt  }
0x62: {  	_ =	shalt  }
0x63: {  	_ =	shalt  }
0x64: {  	_ =	shalt  }
0x65: {  	_ =	shalt  }
0x66: {  	_ =	shalt  }
0x67: {  	_ =	shalt  }
0x68: {  	_ =	shalt  }
0x69: {  	_ =	shalt  }
0x6a: {  	_ =	shalt  }
0x6b: {  	_ =	shalt  }
0x6c: {  	_ =	shalt  }
0x6d: {  	_ =	shalt  }
0x6e: {  	_ =	shalt  }
0x6f: {  	_ =	shalt  }
0x70: {  	_ =	shalt  }
0x71: {  	_ =	shalt  }
0x72: {  	_ =	shalt  }
0x73: {  	_ =	shalt  }
0x74: {  	_ =	shalt  }
0x75: {  	_ =	shalt  }
0x76: {  	_ =	shalt  }
0x77: {  	_ =	shalt  }
0x78: {  	_ =	shalt  }
0x79: {  	_ =	shalt  }
0x7a: {  	_ =	shalt  }
0x7b: {  	_ =	shalt  }
0x7c: {  	_ =	shalt  }
0x7d: {  	_ =	shalt  }
0x7e: {  	_ =	shalt  }
0x7f: {  	_ =	shalt  }
0x80: {  	_ =	shalt  }
0x81: {  	_ =	shalt  }
0x82: {  	_ =	shalt  }
0x83: {  	_ =	shalt  }
0x84: {  	_ =	shalt  }
0x85: {  	_ =	shalt  }
0x86: {  	_ =	shalt  }
0x87: {  	_ =	shalt  }
.Lfunc_end0:
.L_simem_size_0:
called_computation.1_lowered:
.L_overlay_start_0:
0x88: {  	s2 =	sld [smem:$0x3FD9]  }
0x89: {  	s3 =	sld [smem:$0x3FFE];
	_ =	sdelay $0x1  }
0x8a: {  	s1 =	srdreg.scid  }
0x8b: {  	s0 =	sand.u32 $0x1, s1  }
0x8c: {  	s14 =	sshll.u32 s0, $0xA;
	s2 =	sadd.s32 s3, s2  }
0x8d: {  	s2 =	sadd.s32 s2, s14  }
0x8e: {  	[smem:$0x3FC1] =	sst s2  }
0x8f: {  	_ = 	snop  }
0x90: {  	s2 =	sld [smem:$0x3FD0];
	_ =	sdelay $0x2  }
0x91: {  	s15 =	simm.s32 $0xA;
	s4 =	simm.s32 $0x10  }
0x92: {  	[smem:s4], [sflag:s15] =	dma.local [hbm:s2], $0x1  }
0x93: {  	_ =	swait.eq [sflag:s15], $0x1  }
0x94: {  	[sflag:s15] =	ssyncset.done $0x0  }
0x95: {  	[sflag:s15] =	ssyncadd.s32 $0xFFFFFFFF  }
0x96: {  	s16 =	sld [smem:$0x11];
	(tm) =	ssettm $0x1  }
0x97: {  	s17 =	sld [smem:$0x3FFB];
	_ =	sdelay $0x3  }
0x98: {  	_ =	strace s17  }
0x99: {  	s3 =	sld [smem:$0x3FFC];
	_ =	sdelay $0x3  }
0x9a: {  	_ =	strace s3  }
0x9b: {  	s3 =	sld [smem:$0x3FFD];
	_ =	sdelay $0x3  }
0x9c: {  	_ =	strace s3  }
0x9d: {  	_ =	strace $0x8FFFFFFF  }
0x9e: {  	s18 =	sld [smem:$0x3FDB];
	_ =	sdelay $0x1  }
0x9f: {  	s19 =	simm.s32 $_scs_section_size  }
0xa0: {  	s5 =	simm.s32 $_size__tile_overlayer_lowered;
	s6 =	simm.s32 $_tile_overlayer_lowered  }
0xa1: {  	s22 =	simm.s32 $0x1BFF;
	s21 =	sshll.u32 s6, $0x1;
	s3 =	sadd.s32 s19, s18  }
0xa2: {  	s7 =	simm.s32 $0x0;
	s20 =	sshll.u32 s5, $0x1;
	s5 =	sadd.s32 s21, s3  }
0xa3: {  	[timem:s7], [sflag:s22] =	dma.local [hbm:s5], s20  }
0xa4: {  	_ =	swait.ge [sflag:s22], s20  }
0xa5: {  	s4 =	ssub.s32 $0x0, s20;
	[sflag:s22] =	ssyncset.done $0x0  }
0xa6: {  	[sflag:s22] =	ssyncadd.s32 s4;
	_ =	sdelay $0x1  }
0xa7: {  	s23 =	simm.s32 $0x1B8B  }
0xa8: {  	_ =	swait.ge [sflag:s23], $0x1  }
0xa9: {  	[sflag:s23] =	ssyncset.done $0x0  }
0xaa: {  	s25 =	simm.s32 $0x1B8E;
	s24 =	sld [smem:$0x3FFE];
	[sflag:s23] =	ssyncadd.s32 $0xFFFFFFFF  }
0xab: {  	s26 =	simm.s32 $execute0_lowered;
	[smem:$0x3FD2] =	sst s25  }
0xac: {  	s5 =	sshll.u32 s26, $0x1;
	_ =	strace $0x80000046;
	[dreg:$0x1] =	wrdreg $0xFFFFFFFF  }
0xad: {  	s28 =	simm.s32 $_size_execute0_lowered;
	s3 =	sadd.s32 s3, s5;
	[dreg:$0x0] =	wrdreg $0x0  }
0xae: {  	s5 =	sshll.u32 s28, $0x1;
	[dreg:$0x2] =	wrdreg s3  }
0xaf: {  	[dreg:$0x3] =	wrdreg s5  }
0xb0: {  	[dreg:$0x4] =	wrdreg $0xC0  }
0xb1: {  	_ =	task [dreg:s7], $0x5FFFF  }
0xb2: {  	[dreg:$0x1] =	wrdreg $0xFFFFFFFF  }
0xb3: {  	[dreg:$0x0] =	wrdreg $0x60  }
0xb4: {  	[dreg:$0x2] =	wrdreg s16  }
0xb5: {  	[dreg:$0x3] =	wrdreg s24  }
0xb6: {  	[dreg:$0x4] =	wrdreg $0x50800  }
0xb7: {  	[dreg:$0x5] =	wrdreg $0x78800  }
0xb8: {  	[dreg:$0x6] =	wrdreg $0x9  }
0xb9: {  	_ =	task.clear_ibuf [dreg:s7], $0x7FFFF;
	_ =	strace $0x90000046  }
0xba: {  	s29 =	simm.s32 $0x9;
	_ =	strace $0x80000048  }
0xbb: {  	_ =	swait.ge [sflag:s29], $0x1  }
0xbc: {  	[sflag:s29] =	ssyncadd.s32 $0xFFFFFFFF  }
0xbd: {  	_ =	strace $0x90000048  }
0xbe: {  	_ =	sfence  }
0xbf: {  	s30 =	sld [smem:$0x0];
	_ =	sdelay $0x2  }
0xc0: {  	s31 =	sshll.u32 s1, $0xD;
	s1 =	sshrl.u32 s1, $0x2  }
0xc1: {  	s3 =	sand.u32 $0x4000, s31;
	s1 =	sadd.s32 s1, s30  }
0xc2: {  	s0 =	sor.u32 s3, s0;
	s1 =	sshll.u32 s1, $0x11  }
0xc3: {  	s0 =	sor.u32 s1, s0  }
0xc4: {  	s0 =	sadd.s32 $0x8F2B, s0  }
0xc5: {  	[sflag:s0] =	ssyncadd.remote.s32 $0x1  }
0xc6: {  	_ =	sfence.sel $0xFFFF  }
0xc7: {  	[dreg:$0x0] =	wrdreg $0xFFFFFFFF;
	(pc) =	sbr.abs _section_cstart, $3  }
0xc8: {  	[dreg:$0x1] =	wrdreg $0xFFFFFFFF  }
0xc9: {  	_ =	task.clear_ibuf [dreg:s7], $0x2FFFF;
	_ =	strace $0x9FFFFFFF  }
0xca: {  	(tm) =	ssettm $0x7FFFFFFF  }
0xcb: {  	_ =	shalt  }
tec
execute0_lowered:
.L_overlay_start_1:
0x0: {  	(tag) =	ssettag $0x1  }
0x1: {  	s7 =	rddreg [dreg:$0x0]  }
0x2: {  	s5 =	rddreg [dreg:$0x1];
	s0 =	stileid.u32  }
0x3: {  	s2 =	rddreg [dreg:$0x2];
	s6 =	smul.u32 $0x4E20, s0  }
0x4: {  	s1 =	srdreg.scid;
	s17 =	smul.u32 $0x2800, s0  }
0x5: {  	s3 =	rddreg [dreg:$0x3];
	s4 =	simm.s32 $0x0;
	s11 =	smul.u32 $0x14000, s0  }
0x6: {  	s8 =	sand.u32 $0x1, s1;
	s1 =	rddreg [dreg:$0x4];
	s14 =	smul.u32 $0x4E200, s0  }
0x7: {  	[smem:$0x7FF] =	sst s4;
	s30 =	sshll.u32 s0, $0x6;
	s9 =	smul.u32 $0x2710, s8  }
0x8: {  	_ =	strace $0x80000047;
	s26 =	smul.u32 $0x28000, s8;
	s10 =	ssub.s32 $0x2, s8  }
0x9: {  	s8 =	smul.u32 $0x27100, s8;
	s28 =	sadd.s32 s17, s5;
	s13 =	sshrl.u32 s10, $0x1  }
0xa: {  	s29 =	sadd.s32 s11, s2;
	s15 =	sadd.s32 s11, s3;
	s31 =	sadd.s32 s14, s7  }
0xb: {  	s11 =	simm.s32 $0x1;
	s14 =	simm.s32 $0x50;
	s6 =	sadd.s32 s9, s6  }
0xc: {  	s9 =	sadd.s32 s26, s5;
	s10 =	ssub.s32 s10, s13;
	s8 =	sadd.s32 s8, s31  }
0xd: {  	s13 =	simm.s32 $0x5000;
	s6 =	sshrl.u32 s6, $0x3;
	s16 =	sadd.s32 $0x3E000, s9  }
0xe: {  	s18 =	sadd.s32 $0x8E000, s9;
	s7 =	smax.u32 s10, $0x1;
	s10 =	sshrl.u32 s29, $0x3  }
0xf: {  	s12 =	sadd.s32 s6, s5;
	s5 =	sadd.s32 $0x16000, s28;
	s6 =	sor.u32 $0x1C01, s30  }
0x10: {  	v0 =	vimm.f32 $0.0e+00;
	vm0 =	vcmask $0x300;
	s16 =	sadd.s32 s17, s16;
	s17 =	sadd.s32 s17, s18;
	s18 =	simm.s32 $0x0  }
0x11: {  	v0 =	vsel vm0, $0x3F800000, v0;
	s9 =	sadd.s32 $0xC200, s12;
	s12 =	sshrl.u32 s15, $0x3;
	s15 =	simm.s32 $0x2800  }
.LBB2_1:
0x12: {  	[spmem:s10], [sflag:s6] =	dma.local [hbm:s5], $0x2800  }
0x13: {  	_ =	swait.ge [sflag:s11], $0x2800  }
0x14: {  	[sflag:s11] =	ssyncset.done $0x0  }
0x15: {  	[sflag:s11] =	ssyncadd.s32 $0xFFFFD800  }
0x16: {  	[spmem:s12], [sflag:s6] =	dma.local [hbm:s5], $0x2800  }
0x17: {  	_ =	swait.ge [sflag:s11], $0x2800  }
0x18: {  	[sflag:s11] =	ssyncset.done $0x0  }
0x19: {  	s19 =	simm.s32 $0x200;
	s20 =	simm.s32 $0x0;
	[sflag:s11] =	ssyncadd.s32 $0xFFFFD800  }
.LBB2_2:
0x1a: {  	p0 =	sne.s32 s19, $0x9E00;
	[tilespmem:s20+$0x2800] =	vst v0;
	s20 =	smov.u32 s19;
	s19 =	sadd.s32 $0x200, s19  }
.Ltmp0:
0x1b: {  	(pc) =	sbr.rel @p0 .LBB2_2-.Ltmp0, $2  }
0x1c: {  	_ =	sdelay $0x2  }
0x1d: {  	s20 =	sshra.s32 s20, $0x2  }
0x1e: {  	[tilespmem:s20+$0x2800] =	vst v0  }
0x1f: {  	s19 =	sadd.s32 $0x0, s9;
	[bflag:$0x0] =	sbarrier.arrive $0xFFFF  }
0x20: {  	[tilespmem:s13], [sflag:$0x1] =	stream.linear.gather [hbm4b:s19+s4], $0x50, $0x38;
	[tilespmem:$0xA080] =	vst v63  }
0x21: {  	_ =	swait.ge [sflag:s11], $0x50  }
0x22: {  	[sflag:s11] =	ssyncset.done $0x0  }
0x23: {  	[sflag:s11] =	ssyncadd.s32 $0xFFFFFFB0  }
0x24: {  	[tilespmem:s4], [sflag:$0x1] =	stream.linear.gather [hbm4b:s8+s4], $0x2800, $0x38;
	[tilespmem:$0xA080] =	vst v63  }
0x25: {  	_ =	swait.ge [sflag:s11], $0x2800  }
0x26: {  	[sflag:s11] =	ssyncset.done $0x0  }
0x27: {  	[sflag:s11] =	ssyncadd.s32 $0xFFFFD800  }
0x28: {  	[spmem:s2] =	stream.indirect.scatter.add.f32 [tilespmem:s4], [sflag:$0x1], $0x10, s13, s14, $0xb8;
	[tilespmem:$0xA080] =	vst v63  }
0x29: {  	_ =	swait.ge [sflag:s11], $0x500  }
0x2a: {  	[sflag:s11] =	ssyncset.done $0x0  }
0x2b: {  	[sflag:s11] =	ssyncadd.s32 $0xFFFFFB00  }
0x2c: {  	[spmem:s3] =	stream.indirect.scatter.add.f32 [tilespmem:s15], [sflag:$0x1], $0x10, s13, s14, $0xb8;
	[tilespmem:$0xA080] =	vst v63  }
0x2d: {  	s20 =	simm.s32 $0xA;
	_ =	swait.ge [sflag:s11], $0x500  }
0x2e: {  	s21 =	simm.s32 $0x14;
	s19 =	sadd.s32 $0x500, s8;
	[sflag:s11] =	ssyncset.done $0x0  }
.LBB2_4:
0x2f: {  	s22 =	sadd.s32 s20, s9  }
0x30: {  	[sflag:s11] =	ssyncadd.s32 $0xFFFFFB00;
	s20 =	smov.u32 s21;
	s23 =	sadd.s32 $0xA, s21  }
0x31: {  	[tilespmem:s13], [sflag:$0x1] =	stream.linear.gather [hbm4b:s22+s4], $0x50, $0x38;
	[tilespmem:$0xA080] =	vst v63  }
0x32: {  	p0 =	sne.s32 s21, $0x4D8;
	_ =	swait.ge [sflag:s11], $0x50  }
0x33: {  	[sflag:s11] =	ssyncset.done $0x0  }
0x34: {  	[sflag:s11] =	ssyncadd.s32 $0xFFFFFFB0  }
0x35: {  	[tilespmem:s4], [sflag:$0x1] =	stream.linear.gather [hbm4b:s19+s4], $0x2800, $0x38;
	[tilespmem:$0xA080] =	vst v63  }
0x36: {  	_ =	swait.ge [sflag:s11], $0x2800  }
0x37: {  	[sflag:s11] =	ssyncset.done $0x0  }
0x38: {  	[sflag:s11] =	ssyncadd.s32 $0xFFFFD800  }
0x39: {  	[spmem:s2] =	stream.indirect.scatter.add.f32 [tilespmem:s4], [sflag:$0x1], $0x10, s13, s14, $0xb8;
	[tilespmem:$0xA080] =	vst v63  }
0x3a: {  	_ =	swait.ge [sflag:s11], $0x500  }
.Ltmp1:
0x3b: {  	[sflag:s11] =	ssyncset.done $0x0;
	(pc) =	sbr.rel @p0 .LBB2_4-.Ltmp1, $4  }
0x3c: {  	[sflag:s11] =	ssyncadd.s32 $0xFFFFFB00  }
0x3d: {  	[spmem:s3] =	stream.indirect.scatter.add.f32 [tilespmem:s15], [sflag:$0x1], $0x10, s13, s14, $0xb8;
	[tilespmem:$0xA080] =	vst v63  }
0x3e: {  	_ =	swait.ge [sflag:s11], $0x500  }
0x3f: {  	s21 =	smov.u32 s23;
	s19 =	sadd.s32 $0x500, s19;
	[sflag:s11] =	ssyncset.done $0x0  }
0x40: {  	s20 =	sadd.s32 s20, s9;
	[sflag:s11] =	ssyncadd.s32 $0xFFFFFB00  }
0x41: {  	[tilespmem:s13], [sflag:$0x1] =	stream.linear.gather [hbm4b:s20+s4], $0x50, $0x38;
	[tilespmem:$0xA080] =	vst v63  }
0x42: {  	_ =	swait.ge [sflag:s11], $0x50  }
0x43: {  	[sflag:s11] =	ssyncset.done $0x0  }
0x44: {  	[sflag:s11] =	ssyncadd.s32 $0xFFFFFFB0  }
0x45: {  	[tilespmem:s4], [sflag:$0x1] =	stream.linear.gather [hbm4b:s19+s4], $0x2800, $0x38;
	[tilespmem:$0xA080] =	vst v63  }
0x46: {  	_ =	swait.ge [sflag:s11], $0x2800  }
0x47: {  	[sflag:s11] =	ssyncset.done $0x0  }
0x48: {  	[sflag:s11] =	ssyncadd.s32 $0xFFFFD800  }
0x49: {  	[spmem:s2] =	stream.indirect.scatter.add.f32 [tilespmem:s4], [sflag:$0x1], $0x10, s13, s14, $0xb8;
	[tilespmem:$0xA080] =	vst v63  }
0x4a: {  	_ =	swait.ge [sflag:s11], $0x500  }
0x4b: {  	[sflag:s11] =	ssyncset.done $0x0  }
0x4c: {  	[sflag:s11] =	ssyncadd.s32 $0xFFFFFB00  }
0x4d: {  	[spmem:s3] =	stream.indirect.scatter.add.f32 [tilespmem:s15], [sflag:$0x1], $0x10, s13, s14, $0xb8;
	[tilespmem:$0xA080] =	vst v63  }
0x4e: {  	_ =	swait.ge [sflag:s11], $0x500  }
0x4f: {  	[sflag:s11] =	ssyncset.done $0x0  }
0x50: {  	[sflag:s11] =	ssyncadd.s32 $0xFFFFFB00  }
0x51: {  	[bflag:$0x0] =	sbarrier.arrive $0xFFFF  }
0x52: {  	[hbm:s16], [sflag:s6] =	dma.local [spmem:s10], $0x2800  }
0x53: {  	s18 =	sadd.s32 $0x1, s18;
	_ =	swait.ge [sflag:s11], $0x2800  }
0x54: {  	p0 =	sne.s32 s18, s7;
	[sflag:s11] =	ssyncset.done $0x0  }
.Ltmp2:
0x55: {  	[sflag:s11] =	ssyncadd.s32 $0xFFFFD800;
	(pc) =	sbr.rel @p0 .LBB2_1-.Ltmp2, $4  }
0x56: {  	[hbm:s17], [sflag:s6] =	dma.local [spmem:s12], $0x2800  }
0x57: {  	_ =	swait.ge [sflag:s11], $0x2800  }
0x58: {  	[sflag:s11] =	ssyncset.done $0x0  }
0x59: {  	[sflag:s11] =	ssyncadd.s32 $0xFFFFD800  }
0x5a: {  	_ =	sfence.sel $0x180000  }
0x5b: {  	[bflag:$0x0] =	sbarrier.arrive $0xFFFF  }
0x5c: {  	p0 =	sne.s32 s0, $0x0;
	_ =	strace $0x90000047  }
0x5d: {  	s0 =	sadd.s32 @!p0 $0x100000, s1;
	[bflag:$0x2] =	sbarrier.arrive $0xFFFF  }
0x5e: {  	[sflag:s0] =	ssyncadd.tile.s32 @!p0 $0x1;
	_ =	shalt  }
.Lfunc_end2:
_tile_overlayer_lowered:
.L_overlay_start_2:
0x5f: {  	(tag) =	ssettag $0x2  }
0x60: {  	s0 =	rddreg [dreg:$0x0];
	s2 =	stileid.u32  }
0x61: {  	s1 =	rddreg [dreg:$0x1];
	p0 =	sne.s32 s2, $0x0  }
0x62: {  	s3 =	rddreg [dreg:$0x2];
	[bflag:$0x3] =	sbarrier.arrive $0xFFFF;
	s2 =	simm.s32 @!p0 $0x1C01  }
0x63: {  	[timem:s3], [sflag:s2] =	dma.local @!p0 [hbm:s0], s1  }
0x64: {  	s0 =	simm.s32 @!p0 $0x1  }
0x65: {  	_ =	swait.ge @!p0 [sflag:s0], s1  }
0x66: {  	s1 =	ssub.s32 @!p0 $0x0, s1;
	[sflag:s0] =	ssyncset.done @!p0 $0x0  }
0x67: {  	[sflag:s0] =	ssyncadd.s32 @!p0 s1  }
0x68: {  	[bflag:$0x3] =	sbarrier.arrive $0xFFFF  }
0x69: {  	_ =	shalt  }

// kernel: kernel.8.cloned.1.call-start
scs
__scs_entry_jumppad:
0x0: {  	(pc) =	sbr.rel $0x88, $3  }
0x1: {  	(tag) =	ssettag $0x0;
	lr =	simm.s32 $0x1  }
0x2: {  	[smem:$0x3F9A] =	sst lr;
	_ =	strace $0xD0000000  }
0x3: {  	_ = 	snop  }
0x4: {  	_ = 	snop  }
0x5: {  	_ = 	snop  }
0x6: {  	_ = 	snop  }
0x7: {  	_ = 	snop  }
__scs_overlays_trampoline_lowered:
0x8: {  	[smem:$0x3FA9] =	sst s0  }
0x9: {  	[smem:$0x3FAA] =	sst s1  }
0xa: {  	[smem:$0x3FAB] =	sst s2  }
0xb: {  	[smem:$0x3FAC] =	sst s3  }
0xc: {  	[smem:$0x3FAD] =	sst s4  }
0xd: {  	[smem:$0x3FAE] =	sst s5  }
0xe: {  	[smem:$0x3FAF] =	sst s6  }
0xf: {  	[smem:$0x3FB0] =	sst s7  }
0x10: {  	[smem:$0x3FB1] =	sst s8  }
0x11: {  	[smem:$0x3FB2] =	sst s9;
	s0 =	simm.s32 @!p0 $0x0  }
0x12: {  	s1 =	sld [smem:$0x3F98];
	s0 =	simm.s32 @p0 $0x1  }
0x13: {  	[smem:$0x3FB3] =	sst s0;
	s0 =	simm.s32 @!p1 $0x0  }
0x14: {  	s2 =	sld [smem:$0x3F97];
	s0 =	simm.s32 @p1 $0x1  }
0x15: {  	[smem:$0x3FB4] =	sst s0;
	s0 =	simm.s32 @!p2 $0x0  }
0x16: {  	s3 =	sld [smem:$0x3FDB];
	s0 =	simm.s32 @p2 $0x1  }
0x17: {  	s4 =	simm.s32 $0x1BF5;
	[smem:$0x3FB6] =	sst s0  }
0x18: {  	s0 =	sld [smem:$0x3F99];
	_ =	swait.ge [sflag:s4], $0x0  }
0x19: {  	s7 =	sld [smem:$0x3F9A]  }
0x1a: {  	s8 =	sadd.s32 $0xFFFFE003, lr  }
0x1b: {  	s9 =	sadd.s32 $0xFFFFFEF7, lr;
	s5 =	simm.s32 $0xFFFFFFFF;
	p2 =	slt.u32 s8, $0xFFFFF086  }
0x1c: {  	p1 =	slt.u32 s9, $0xF7A;
	s5 =	simm.s32 @!p2 $0x0  }
0x1d: {  	s5 =	simm.s32 @p1 $0x1;
	p0 =	seq.s32 s7, s2  }
0x1e: {  	s7 =	smul.u32 @!p0 $0xF7A, s2;
	p2 =	seq.s32 @!p0 s5, $0x0  }
0x1f: {  	s9 =	smul.u32 $0xF7A, s1;
	s8 =	simm.s32 @!p0 $0x1BF5;
	p2 =	por !p2, p0  }
0x20: {  	[sflag:s8] =	ssyncset.s32 @!p0 $0xFFFFF086;
	s6 =	sadd.s32 @!p0 s3, s7;
	s7 =	simm.s32 @!p0 $0x108  }
0x21: {  	s3 =	sadd.s32 s3, s9;
	s6 =	sadd.s32 @!p0 $0x88, s6;
	s7 =	simm.s32 @p2 $0x1082  }
0x22: {  	[simem:s7], [sflag:s8] =	dma.local @!p0 [hbm:s6], $0xF7A  }
0x23: {  	s9 =	sor.u32 $0xD0000000, s2;
	s6 =	simm.s32 $0x108;
	_ =	swait.ge @!p0 [sflag:s8], $0x0  }
0x24: {  	s3 =	sadd.s32 $0x88, s3;
	s6 =	simm.s32 @!p1 $0x1082;
	[sflag:s4] =	ssyncset.s32 $0xFFFFF086  }
0x25: {  	[simem:s6], [sflag:s4] =	dma.local [hbm:s3], $0xF7A  }
0x26: {  	[smem:$0x3F9A] =	sst s1;
	(tag) =	ssettag s2;
	_ =	strace s9  }
0x27: {  	s1 =	sld [smem:$0x3FAA]  }
0x28: {  	s2 =	sld [smem:$0x3FAB]  }
0x29: {  	s4 =	sld [smem:$0x3FAD]  }
0x2a: {  	p0 =	seq.s32 s5, $0x0;
	s5 =	sld [smem:$0x3FAE]  }
0x2b: {  	s6 =	sld [smem:$0x3FAF]  }
0x2c: {  	s7 =	sld [smem:$0x3FB0]  }
0x2d: {  	s3 =	simm.s32 $0x108;
	s8 =	sld [smem:$0x3FB1]  }
0x2e: {  	s3 =	simm.s32 @!p0 $0x1082;
	s9 =	sld [smem:$0x3FB2]  }
0x2f: {  	lr =	sadd.s32 s0, s3;
	s0 =	sld [smem:$0x3FA9]  }
0x30: {  	s3 =	sld [smem:$0x3FAC]  }
0x31: {  	[smem:$0x3FB5] =	sst s10  }
0x32: {  	s10 =	sld [smem:$0x3FB3];
	_ =	sdelay $0x3  }
0x33: {  	p0 =	seq.s32 s10, $0x1;
	s10 =	sld [smem:$0x3FB5];
	_ =	sdelay $0x3  }
0x34: {  	[smem:$0x3FB5] =	sst s10  }
0x35: {  	s10 =	sld [smem:$0x3FB4];
	_ =	sdelay $0x3  }
0x36: {  	p1 =	seq.s32 s10, $0x1;
	s10 =	sld [smem:$0x3FB5];
	_ =	sdelay $0x3  }
0x37: {  	[smem:$0x3FB5] =	sst s10  }
0x38: {  	s10 =	sld [smem:$0x3FB6]  }
0x39: {  	_ = 	snop;
	(pc) =	sbr.ind lr, $3  }
0x3a: {  	_ = 	snop  }
0x3b: {  	_ = 	snop  }
0x3c: {  	p2 =	seq.s32 s10, $0x1;
	s10 =	sld [smem:$0x3FB5]  }
0x3d: {  	_ =	shalt  }
0x3e: {  	_ =	shalt  }
0x3f: {  	_ =	shalt  }
0x40: {  	_ =	shalt  }
0x41: {  	_ =	shalt  }
0x42: {  	_ =	shalt  }
0x43: {  	_ =	shalt  }
0x44: {  	_ =	shalt  }
0x45: {  	_ =	shalt  }
0x46: {  	_ =	shalt  }
0x47: {  	_ =	shalt  }
0x48: {  	_ =	shalt  }
0x49: {  	_ =	shalt  }
0x4a: {  	_ =	shalt  }
0x4b: {  	_ =	shalt  }
0x4c: {  	_ =	shalt  }
0x4d: {  	_ =	shalt  }
0x4e: {  	_ =	shalt  }
0x4f: {  	_ =	shalt  }
0x50: {  	_ =	shalt  }
0x51: {  	_ =	shalt  }
0x52: {  	_ =	shalt  }
0x53: {  	_ =	shalt  }
0x54: {  	_ =	shalt  }
0x55: {  	_ =	shalt  }
0x56: {  	_ =	shalt  }
0x57: {  	_ =	shalt  }
0x58: {  	_ =	shalt  }
0x59: {  	_ =	shalt  }
0x5a: {  	_ =	shalt  }
0x5b: {  	_ =	shalt  }
0x5c: {  	_ =	shalt  }
0x5d: {  	_ =	shalt  }
0x5e: {  	_ =	shalt  }
0x5f: {  	_ =	shalt  }
0x60: {  	_ =	shalt  }
0x61: {  	_ =	shalt  }
0x62: {  	_ =	shalt  }
0x63: {  	_ =	shalt  }
0x64: {  	_ =	shalt  }
0x65: {  	_ =	shalt  }
0x66: {  	_ =	shalt  }
0x67: {  	_ =	shalt  }
0x68: {  	_ =	shalt  }
0x69: {  	_ =	shalt  }
0x6a: {  	_ =	shalt  }
0x6b: {  	_ =	shalt  }
0x6c: {  	_ =	shalt  }
0x6d: {  	_ =	shalt  }
0x6e: {  	_ =	shalt  }
0x6f: {  	_ =	shalt  }
0x70: {  	_ =	shalt  }
0x71: {  	_ =	shalt  }
0x72: {  	_ =	shalt  }
0x73: {  	_ =	shalt  }
0x74: {  	_ =	shalt  }
0x75: {  	_ =	shalt  }
0x76: {  	_ =	shalt  }
0x77: {  	_ =	shalt  }
0x78: {  	_ =	shalt  }
0x79: {  	_ =	shalt  }
0x7a: {  	_ =	shalt  }
0x7b: {  	_ =	shalt  }
0x7c: {  	_ =	shalt  }
0x7d: {  	_ =	shalt  }
0x7e: {  	_ =	shalt  }
0x7f: {  	_ =	shalt  }
0x80: {  	_ =	shalt  }
0x81: {  	_ =	shalt  }
0x82: {  	_ =	shalt  }
0x83: {  	_ =	shalt  }
0x84: {  	_ =	shalt  }
0x85: {  	_ =	shalt  }
0x86: {  	_ =	shalt  }
0x87: {  	_ =	shalt  }
.Lfunc_end0:
.L_simem_size_0:
called_computation.2_lowered:
.L_overlay_start_0:
0x88: {  	s2 =	sld [smem:$0x3FD9]  }
0x89: {  	s3 =	sld [smem:$0x3FFE];
	_ =	sdelay $0x1  }
0x8a: {  	s1 =	srdreg.scid  }
0x8b: {  	s0 =	sand.u32 $0x1, s1  }
0x8c: {  	s14 =	sshll.u32 s0, $0xA;
	s2 =	sadd.s32 s3, s2  }
0x8d: {  	s2 =	sadd.s32 s2, s14  }
0x8e: {  	[smem:$0x3FC1] =	sst s2  }
0x8f: {  	_ = 	snop  }
0x90: {  	s2 =	sld [smem:$0x3FD0];
	_ =	sdelay $0x2  }
0x91: {  	s15 =	simm.s32 $0xA;
	s4 =	simm.s32 $0x10  }
0x92: {  	[smem:s4], [sflag:s15] =	dma.local [hbm:s2], $0x1  }
0x93: {  	_ =	swait.eq [sflag:s15], $0x1  }
0x94: {  	[sflag:s15] =	ssyncset.done $0x0  }
0x95: {  	[sflag:s15] =	ssyncadd.s32 $0xFFFFFFFF  }
0x96: {  	s16 =	sld [smem:$0x11];
	(tm) =	ssettm $0x1  }
0x97: {  	s17 =	sld [smem:$0x3FFB];
	_ =	sdelay $0x3  }
0x98: {  	_ =	strace s17  }
0x99: {  	s3 =	sld [smem:$0x3FFC];
	_ =	sdelay $0x3  }
0x9a: {  	_ =	strace s3  }
0x9b: {  	s3 =	sld [smem:$0x3FFD];
	_ =	sdelay $0x3  }
0x9c: {  	_ =	strace s3  }
0x9d: {  	_ =	strace $0x8FFFFFFF  }
0x9e: {  	s18 =	sld [smem:$0x3FDB];
	_ =	sdelay $0x1  }
0x9f: {  	s19 =	simm.s32 $_scs_section_size  }
0xa0: {  	s5 =	simm.s32 $_size__tile_overlayer_lowered;
	s6 =	simm.s32 $_tile_overlayer_lowered  }
0xa1: {  	s22 =	simm.s32 $0x1BFF;
	s21 =	sshll.u32 s6, $0x1;
	s3 =	sadd.s32 s19, s18  }
0xa2: {  	s7 =	simm.s32 $0x0;
	s20 =	sshll.u32 s5, $0x1;
	s5 =	sadd.s32 s21, s3  }
0xa3: {  	[timem:s7], [sflag:s22] =	dma.local [hbm:s5], s20  }
0xa4: {  	_ =	swait.ge [sflag:s22], s20  }
0xa5: {  	s4 =	ssub.s32 $0x0, s20;
	[sflag:s22] =	ssyncset.done $0x0  }
0xa6: {  	[sflag:s22] =	ssyncadd.s32 s4;
	_ =	sdelay $0x1  }
0xa7: {  	s23 =	simm.s32 $0x1B8B  }
0xa8: {  	_ =	swait.ge [sflag:s23], $0x1  }
0xa9: {  	[sflag:s23] =	ssyncset.done $0x0  }
0xaa: {  	s25 =	simm.s32 $0x1B8E;
	s24 =	sld [smem:$0x3FFE];
	[sflag:s23] =	ssyncadd.s32 $0xFFFFFFFF  }
0xab: {  	s26 =	simm.s32 $execute0_lowered;
	[smem:$0x3FD2] =	sst s25  }
0xac: {  	s5 =	sshll.u32 s26, $0x1;
	_ =	strace $0x80000049;
	[dreg:$0x1] =	wrdreg $0xFFFFFFFF  }
0xad: {  	s28 =	simm.s32 $_size_execute0_lowered;
	s3 =	sadd.s32 s3, s5;
	[dreg:$0x0] =	wrdreg $0x0  }
0xae: {  	s5 =	sshll.u32 s28, $0x1;
	[dreg:$0x2] =	wrdreg s3  }
0xaf: {  	[dreg:$0x3] =	wrdreg s5  }
0xb0: {  	[dreg:$0x4] =	wrdreg $0xC0  }
0xb1: {  	_ =	task [dreg:s7], $0x5FFFF  }
0xb2: {  	[dreg:$0x1] =	wrdreg $0xFFFFFFFF  }
0xb3: {  	[dreg:$0x0] =	wrdreg $0x60  }
0xb4: {  	[dreg:$0x2] =	wrdreg s24  }
0xb5: {  	[dreg:$0x3] =	wrdreg s16  }
0xb6: {  	[dreg:$0x4] =	wrdreg $0x9  }
0xb7: {  	_ =	task.clear_ibuf [dreg:s7], $0x5FFFF;
	_ =	strace $0x90000049  }
0xb8: {  	s29 =	simm.s32 $0x9;
	_ =	strace $0x8000004B  }
0xb9: {  	_ =	swait.ge [sflag:s29], $0x1  }
0xba: {  	[sflag:s29] =	ssyncadd.s32 $0xFFFFFFFF  }
0xbb: {  	_ =	strace $0x9000004B  }
0xbc: {  	_ =	sfence  }
0xbd: {  	s30 =	sld [smem:$0x0];
	_ =	sdelay $0x2  }
0xbe: {  	s31 =	sshll.u32 s1, $0xD;
	s1 =	sshrl.u32 s1, $0x2  }
0xbf: {  	s3 =	sand.u32 $0x4000, s31;
	s1 =	sadd.s32 s1, s30  }
0xc0: {  	s0 =	sor.u32 s3, s0;
	s1 =	sshll.u32 s1, $0x11  }
0xc1: {  	s0 =	sor.u32 s1, s0  }
0xc2: {  	s0 =	sadd.s32 $0x8F2B, s0  }
0xc3: {  	[sflag:s0] =	ssyncadd.remote.s32 $0x1  }
0xc4: {  	_ =	sfence.sel $0xFFFF  }
0xc5: {  	[dreg:$0x0] =	wrdreg $0xFFFFFFFF;
	(pc) =	sbr.abs _section_cstart, $3  }
0xc6: {  	[dreg:$0x1] =	wrdreg $0xFFFFFFFF  }
0xc7: {  	_ =	task.clear_ibuf [dreg:s7], $0x2FFFF;
	_ =	strace $0x9FFFFFFF  }
0xc8: {  	(tm) =	ssettm $0x7FFFFFFF  }
0xc9: {  	_ =	shalt  }
tec
execute0_lowered:
.L_overlay_start_1:
0x0: {  	(tag) =	ssettag $0x1  }
0x1: {  	s0 =	rddreg [dreg:$0x0]  }
0x2: {  	s1 =	rddreg [dreg:$0x1];
	s2 =	simm.s32 $0x0  }
0x3: {  	s25 =	srdreg.scid;
	s7 =	stileid.u32;
	s10 =	simm.s32 $0x3  }
0x4: {  	s12 =	simm.s32 $0x100;
	s18 =	simm.s32 $0x3100;
	s19 =	simm.s32 $0x3900  }
0x5: {  	s20 =	simm.s32 $0x4100;
	s21 =	simm.s32 $0x4900;
	s22 =	simm.s32 $0x5100  }
0x6: {  	s23 =	simm.s32 $0x5900;
	s24 =	simm.s32 $0x6100;
	s28 =	simm.s32 $0x7900  }
0x7: {  	s29 =	simm.s32 $0x8100;
	s30 =	simm.s32 $0x8900;
	s31 =	simm.s32 $0x9100  }
0x8: {  	s11 =	simm.s32 $0x0;
	[smem:$0x7FF] =	sst s2;
	s4 =	sadd.s32 $0x16000, s0  }
0x9: {  	s2 =	sand.u32 $0x1, s25;
	s5 =	sadd.s32 $0x2400, s0;
	s6 =	sadd.s32 $0xC200, s0  }
0xa: {  	s9 =	sshll.u32 s7, $0x1;
	s7 =	sadd.s32 $0x64200, s0;
	s3 =	ssub.s32 $0x2, s2  }
0xb: {  	s25 =	simm.s32 $0x6900;
	_ =	strace $0x8000004A;
	s8 =	sshrl.u32 s3, $0x1  }
0xc: {  	v2 =	vlaneseq.u32;
	s2 =	sor.u32 s2, s9;
	s9 =	simm.s32 $0x2;
	s26 =	ssub.s32 s3, s8  }
0xd: {  	vm0 =	vmmov $0xffff;
	v1 =	vshrl.u32 v2, $0x3;
	s8 =	smul.u32 $0x2710, s2;
	s3 =	simm.s32 $0x1;
	s0 =	smax.u32 s26, $0x1  }
0xe: {  	v0 =	vand.u32 $0x7, v2;
	v2 =	vor.u32 $0x8, v2;
	v1 =	vmul.u32 $0x8, v1;
	s26 =	simm.s32 $0x7100;
	[dreg:$0x3] =	wrdreg s0;
	s0 =	simm.s32 $0x9900  }
.LBB2_1:
0xf: {  	[dreg:$0x4] =	wrdreg s11;
	s2 =	simm.s32 $0x0  }
.LBB2_2:
0x10: {  	s11 =	smul.u32 $0x50, s2;
	_ =	sdelay $0x1  }
0x11: {  	s11 =	sadd.s32 s8, s11  }
0x12: {  	s14 =	sshrl.u32 s11, $0x3  }
0x13: {  	s13 =	simm.s32 $0x0;
	s15 =	sadd.s32 s5, s14  }
0x14: {  	[tilespmem:s13], [sflag:$0x3] =	stream.linear.gather [hbm4b:s15+s13], $0x50, $0x38;
	[tilespmem:$0xA100] =	vst v63  }
0x15: {  	_ =	swait.ge [sflag:s10], $0x50  }
0x16: {  	[sflag:s10] =	ssyncset.done $0x0  }
0x17: {  	s17 =	simm.s32 $0x80;
	s14 =	sadd.s32 s6, s14;
	[sflag:s10] =	ssyncadd.s32 $0xFFFFFFB0  }
0x18: {  	[tilespmem:s17], [sflag:$0x3] =	stream.linear.gather [hbm4b:s14+s13], $0x50, $0x38;
	[tilespmem:$0xA100] =	vst v63  }
0x19: {  	_ =	swait.ge [sflag:s10], $0x50  }
0x1a: {  	[sflag:s10] =	ssyncset.done $0x0  }
0x1b: {  	[sflag:s10] =	ssyncadd.s32 $0xFFFFFFB0  }
0x1c: {  	v3 =	vld [tilespmem:$0x0];
	_ =	sdelay $0x4  }
0x1d: {  	v4 =	vshll.u32 v3, $0x1  }
0x1e: {  	v3 =	vand.u32 $0x7, v3;
	v4 =	vand.u32 $0xFFFFFFF0, v4  }
0x1f: {  	v3 =	vor.u32 v3, v4  }
0x20: {  	v4 =	vperm.xlane v3, v0;
	_ =	sdelay $0x1  }
0x21: {  	v3 =	vperm.xlane v3, v2;
	v4 =	vadd.s32 v1, v4;
	_ =	sdelay $0x1  }
0x22: {  	v3 =	vadd.s32 v1, v3;
	_ =	sdelay $0x2  }
0x23: {  	[tilespmem:s12], [sflag:$0x1] =	stream.indirect_vreg.gather [hbm4b:s4+s13], $0x80, v4, vm0, $0xb8;
	[tilespmem:$0xA100] =	vst v63  }
0x24: {  	s15 =	simm.s32 $0x900  }
0x25: {  	[tilespmem:s15], [sflag:$0x1] =	stream.indirect_vreg.gather [hbm4b:s4+s13], $0x80, v3, vm0, $0xb8;
	[tilespmem:$0xA100] =	vst v63  }
0x26: {  	v3 =	vld [tilespmem:$0x10];
	_ =	sdelay $0x4  }
0x27: {  	v4 =	vshll.u32 v3, $0x1  }
0x28: {  	v3 =	vand.u32 $0x7, v3;
	v4 =	vand.u32 $0xFFFFFFF0, v4  }
0x29: {  	v3 =	vor.u32 v3, v4  }
0x2a: {  	v4 =	vperm.xlane v3, v0;
	_ =	sdelay $0x1  }
0x2b: {  	v3 =	vperm.xlane v3, v2;
	v4 =	vadd.s32 v1, v4;
	_ =	sdelay $0x1  }
0x2c: {  	v3 =	vadd.s32 v1, v3;
	_ =	sdelay $0x1  }
0x2d: {  	s16 =	simm.s32 $0x1100  }
0x2e: {  	[tilespmem:s16], [sflag:$0x1] =	stream.indirect_vreg.gather [hbm4b:s4+s13], $0x80, v4, vm0, $0xb8;
	[tilespmem:$0xA100] =	vst v63  }
0x2f: {  	s17 =	simm.s32 $0x1900  }
0x30: {  	[tilespmem:s17], [sflag:$0x1] =	stream.indirect_vreg.gather [hbm4b:s4+s13], $0x80, v3, vm0, $0xb8;
	[tilespmem:$0xA100] =	vst v63  }
0x31: {  	v3 =	vld [tilespmem:$0x20];
	_ =	sdelay $0x4  }
0x32: {  	v4 =	vshll.u32 v3, $0x1  }
0x33: {  	v3 =	vand.u32 $0x7, v3;
	v4 =	vand.u32 $0xFFFFFFF0, v4  }
0x34: {  	v3 =	vor.u32 v3, v4  }
0x35: {  	v4 =	vperm.xlane v3, v0;
	_ =	sdelay $0x1  }
0x36: {  	v3 =	vperm.xlane v3, v2;
	v4 =	vadd.s32 v1, v4;
	_ =	sdelay $0x1  }
0x37: {  	v3 =	vadd.s32 v1, v3;
	_ =	sdelay $0x1  }
0x38: {  	s15 =	simm.s32 $0x2100  }
0x39: {  	[tilespmem:s15], [sflag:$0x1] =	stream.indirect_vreg.gather [hbm4b:s4+s13], $0x80, v4, vm0, $0xb8;
	[tilespmem:$0xA100] =	vst v63  }
0x3a: {  	s16 =	simm.s32 $0x2900  }
0x3b: {  	[tilespmem:s16], [sflag:$0x1] =	stream.indirect_vreg.gather [hbm4b:s4+s13], $0x80, v3, vm0, $0xb8;
	[tilespmem:$0xA100] =	vst v63  }
0x3c: {  	v3 =	vld [tilespmem:$0x30];
	_ =	sdelay $0x4  }
0x3d: {  	v4 =	vshll.u32 v3, $0x1  }
0x3e: {  	v3 =	vand.u32 $0x7, v3;
	v4 =	vand.u32 $0xFFFFFFF0, v4  }
0x3f: {  	v3 =	vor.u32 v3, v4  }
0x40: {  	v4 =	vperm.xlane v3, v0;
	_ =	sdelay $0x1  }
0x41: {  	v3 =	vperm.xlane v3, v2;
	v4 =	vadd.s32 v1, v4;
	_ =	sdelay $0x1  }
0x42: {  	v3 =	vadd.s32 v1, v3;
	_ =	sdelay $0x2  }
0x43: {  	[tilespmem:s18], [sflag:$0x1] =	stream.indirect_vreg.gather [hbm4b:s4+s13], $0x80, v4, vm0, $0xb8;
	[tilespmem:$0xA100] =	vst v63  }
0x44: {  	_ = 	snop  }
0x45: {  	[tilespmem:s19], [sflag:$0x1] =	stream.indirect_vreg.gather [hbm4b:s4+s13], $0x80, v3, vm0, $0xb8;
	[tilespmem:$0xA100] =	vst v63  }
0x46: {  	v3 =	vld [tilespmem:$0x40];
	_ =	sdelay $0x4  }
0x47: {  	v4 =	vshll.u32 v3, $0x1  }
0x48: {  	v3 =	vand.u32 $0x7, v3;
	v4 =	vand.u32 $0xFFFFFFF0, v4  }
0x49: {  	v3 =	vor.u32 v3, v4  }
0x4a: {  	v4 =	vperm.xlane v3, v0;
	_ =	sdelay $0x1  }
0x4b: {  	v3 =	vperm.xlane v3, v2;
	v4 =	vadd.s32 v1, v4;
	_ =	sdelay $0x1  }
0x4c: {  	v3 =	vadd.s32 v1, v3;
	_ =	sdelay $0x2  }
0x4d: {  	[tilespmem:s20], [sflag:$0x1] =	stream.indirect_vreg.gather [hbm4b:s4+s13], $0x80, v4, vm0, $0xb8;
	[tilespmem:$0xA100] =	vst v63  }
0x4e: {  	_ = 	snop  }
0x4f: {  	[tilespmem:s21], [sflag:$0x1] =	stream.indirect_vreg.gather [hbm4b:s4+s13], $0x80, v3, vm0, $0xb8;
	[tilespmem:$0xA100] =	vst v63  }
0x50: {  	v3 =	vld [tilespmem:$0x80];
	_ =	sdelay $0x4  }
0x51: {  	v4 =	vshll.u32 v3, $0x1  }
0x52: {  	v3 =	vand.u32 $0x7, v3;
	v4 =	vand.u32 $0xFFFFFFF0, v4  }
0x53: {  	v3 =	vor.u32 v3, v4  }
0x54: {  	v4 =	vperm.xlane v3, v0;
	_ =	sdelay $0x1  }
0x55: {  	v3 =	vperm.xlane v3, v2;
	v4 =	vadd.s32 v1, v4;
	_ =	sdelay $0x1  }
0x56: {  	v3 =	vadd.s32 v1, v3;
	_ =	sdelay $0x2  }
0x57: {  	[tilespmem:s22], [sflag:$0x2] =	stream.indirect_vreg.gather [hbm4b:s1+s13], $0x80, v4, vm0, $0xb8;
	[tilespmem:$0xA100] =	vst v63  }
0x58: {  	_ = 	snop  }
0x59: {  	[tilespmem:s23], [sflag:$0x2] =	stream.indirect_vreg.gather [hbm4b:s1+s13], $0x80, v3, vm0, $0xb8;
	[tilespmem:$0xA100] =	vst v63  }
0x5a: {  	v3 =	vld [tilespmem:$0x90];
	_ =	sdelay $0x4  }
0x5b: {  	v4 =	vshll.u32 v3, $0x1  }
0x5c: {  	v3 =	vand.u32 $0x7, v3;
	v4 =	vand.u32 $0xFFFFFFF0, v4  }
0x5d: {  	v3 =	vor.u32 v3, v4  }
0x5e: {  	v4 =	vperm.xlane v3, v0;
	_ =	sdelay $0x1  }
0x5f: {  	v3 =	vperm.xlane v3, v2;
	v4 =	vadd.s32 v1, v4;
	_ =	sdelay $0x1  }
0x60: {  	v3 =	vadd.s32 v1, v3;
	_ =	sdelay $0x2  }
0x61: {  	[tilespmem:s24], [sflag:$0x2] =	stream.indirect_vreg.gather [hbm4b:s1+s13], $0x80, v4, vm0, $0xb8;
	[tilespmem:$0xA100] =	vst v63  }
0x62: {  	_ = 	snop  }
0x63: {  	[tilespmem:s25], [sflag:$0x2] =	stream.indirect_vreg.gather [hbm4b:s1+s13], $0x80, v3, vm0, $0xb8;
	[tilespmem:$0xA100] =	vst v63  }
0x64: {  	v3 =	vld [tilespmem:$0xA0];
	_ =	sdelay $0x4  }
0x65: {  	v4 =	vshll.u32 v3, $0x1  }
0x66: {  	v3 =	vand.u32 $0x7, v3;
	v4 =	vand.u32 $0xFFFFFFF0, v4  }
0x67: {  	v3 =	vor.u32 v3, v4  }
0x68: {  	v4 =	vperm.xlane v3, v0;
	_ =	sdelay $0x1  }
0x69: {  	v3 =	vperm.xlane v3, v2;
	v4 =	vadd.s32 v1, v4;
	_ =	sdelay $0x1  }
0x6a: {  	v3 =	vadd.s32 v1, v3;
	_ =	sdelay $0x2  }
0x6b: {  	[tilespmem:s26], [sflag:$0x2] =	stream.indirect_vreg.gather [hbm4b:s1+s13], $0x80, v4, vm0, $0xb8;
	[tilespmem:$0xA100] =	vst v63  }
0x6c: {  	_ = 	snop  }
0x6d: {  	[tilespmem:s28], [sflag:$0x2] =	stream.indirect_vreg.gather [hbm4b:s1+s13], $0x80, v3, vm0, $0xb8;
	[tilespmem:$0xA100] =	vst v63  }
0x6e: {  	v3 =	vld [tilespmem:$0xB0];
	_ =	sdelay $0x4  }
0x6f: {  	v4 =	vshll.u32 v3, $0x1  }
0x70: {  	v3 =	vand.u32 $0x7, v3;
	v4 =	vand.u32 $0xFFFFFFF0, v4  }
0x71: {  	v3 =	vor.u32 v3, v4  }
0x72: {  	v4 =	vperm.xlane v3, v0;
	_ =	sdelay $0x1  }
0x73: {  	v3 =	vperm.xlane v3, v2;
	v4 =	vadd.s32 v1, v4;
	_ =	sdelay $0x1  }
0x74: {  	v3 =	vadd.s32 v1, v3;
	_ =	sdelay $0x2  }
0x75: {  	[tilespmem:s29], [sflag:$0x2] =	stream.indirect_vreg.gather [hbm4b:s1+s13], $0x80, v4, vm0, $0xb8;
	[tilespmem:$0xA100] =	vst v63  }
0x76: {  	_ = 	snop  }
0x77: {  	[tilespmem:s30], [sflag:$0x2] =	stream.indirect_vreg.gather [hbm4b:s1+s13], $0x80, v3, vm0, $0xb8;
	[tilespmem:$0xA100] =	vst v63  }
0x78: {  	v3 =	vld [tilespmem:$0xC0];
	_ =	sdelay $0x4  }
0x79: {  	v4 =	vshll.u32 v3, $0x1  }
0x7a: {  	v3 =	vand.u32 $0x7, v3;
	v4 =	vand.u32 $0xFFFFFFF0, v4  }
0x7b: {  	v3 =	vor.u32 v3, v4  }
0x7c: {  	v4 =	vperm.xlane v3, v0;
	_ =	sdelay $0x1  }
0x7d: {  	v3 =	vperm.xlane v3, v2;
	v4 =	vadd.s32 v1, v4;
	_ =	sdelay $0x1  }
0x7e: {  	v3 =	vadd.s32 v1, v3;
	_ =	sdelay $0x2  }
0x7f: {  	[tilespmem:s31], [sflag:$0x2] =	stream.indirect_vreg.gather [hbm4b:s1+s13], $0x80, v4, vm0, $0xb8;
	[tilespmem:$0xA100] =	vst v63  }
0x80: {  	_ = 	snop  }
0x81: {  	[tilespmem:s0], [sflag:$0x2] =	stream.indirect_vreg.gather [hbm4b:s1+s13], $0x80, v3, vm0, $0xb8;
	[tilespmem:$0xA100] =	vst v63  }
0x82: {  	_ =	swait.ge [sflag:s3], $0x5000  }
0x83: {  	[sflag:s3] =	ssyncset.done $0x0  }
0x84: {  	[sflag:s3] =	ssyncadd.s32 $0xFFFFB000  }
0x85: {  	_ =	swait.ge [sflag:s9], $0x5000  }
0x86: {  	s17 =	sand.u32 $0x7800, s13;
	s13 =	sand.u32 $0x380, s13;
	[sflag:s9] =	ssyncset.done $0x0  }
0x87: {  	s13 =	sor.u32 s13, s17;
	[sflag:s9] =	ssyncadd.s32 $0xFFFFB000  }
0x88: {  	v10 =	vld [tilespmem:s13+$0x5100]  }
0x89: {  	v11 =	vld [tilespmem:s13+$0x5110]  }
0x8a: {  	v12 =	vld [tilespmem:s13+$0x5120]  }
0x8b: {  	v13 =	vld [tilespmem:s13+$0x5130]  }
0x8c: {  	v14 =	vld [tilespmem:s13+$0x5140]  }
0x8d: {  	v15 =	vld [tilespmem:s13+$0x5150]  }
0x8e: {  	v16 =	vld [tilespmem:s13+$0x5160]  }
0x8f: {  	v17 =	vld [tilespmem:s13+$0x5170]  }
0x90: {  	v18 =	vld [tilespmem:s13+$0x5500]  }
0x91: {  	v9 =	vld [tilespmem:s13+$0x5510]  }
0x92: {  	v8 =	vld [tilespmem:s13+$0x5520]  }
0x93: {  	v7 =	vld [tilespmem:s13+$0x5530]  }
0x94: {  	v6 =	vld [tilespmem:s13+$0x5540]  }
0x95: {  	v5 =	vld [tilespmem:s13+$0x5550]  }
0x96: {  	v4 =	vld [tilespmem:s13+$0x5560]  }
0x97: {  	v3 =	vld [tilespmem:s13+$0x5570]  }
0x98: {  	v19 =	vld [tilespmem:s13+$0x100]  }
0x99: {  	v20 =	vld [tilespmem:s13+$0x110]  }
0x9a: {  	v21 =	vld [tilespmem:s13+$0x120]  }
0x9b: {  	v22 =	vld [tilespmem:s13+$0x130]  }
0x9c: {  	v23 =	vld [tilespmem:s13+$0x140]  }
0x9d: {  	v10 =	vadd.f32 v10, v19;
	v19 =	vld [tilespmem:s13+$0x150]  }
0x9e: {  	v61 =	vld [tilespmem:s13+$0x160];
	v11 =	vadd.f32 v11, v20  }
0x9f: {  	v62 =	vld [tilespmem:s13+$0x170];
	[tilespmem:s13+$0x100] =	vst v10;
	v10 =	vadd.f32 v12, v21  }
0xa0: {  	v63 =	vld [tilespmem:s13+$0x500];
	[tilespmem:s13+$0x110] =	vst v11;
	v11 =	vadd.f32 v13, v22  }
0xa1: {  	v13 =	vld [tilespmem:s13+$0x510];
	[tilespmem:s13+$0x120] =	vst v10;
	v10 =	vadd.f32 v14, v23  }
0xa2: {  	v12 =	vld [tilespmem:s13+$0x520];
	[tilespmem:s13+$0x130] =	vst v11;
	v11 =	vadd.f32 v15, v19  }
0xa3: {  	v14 =	vadd.f32 v16, v61;
	[tilespmem:s13+$0x140] =	vst v10;
	v10 =	vld [tilespmem:s13+$0x530]  }
0xa4: {  	v16 =	vadd.f32 v17, v62;
	[tilespmem:s13+$0x150] =	vst v11;
	v11 =	vld [tilespmem:s13+$0x540]  }
0xa5: {  	s14 =	simm.s32 $0x80;
	s15 =	simm.s32 $0x100;
	v15 =	vadd.f32 v18, v63;
	[tilespmem:s13+$0x160] =	vst v14;
	v14 =	vld [tilespmem:s13+$0x550]  }
.LBB2_3:
0xa6: {  	s16 =	sand.u32 $0x7800, s15;
	s17 =	sand.u32 $0x380, s14;
	p0 =	sne.s32 s15, $0x4F00;
	[tilespmem:s13+$0x170] =	vst v16;
	v9 =	vadd.f32 v9, v13;
	v13 =	vld [tilespmem:s13+$0x560]  }
0xa7: {  	s16 =	sor.u32 s17, s16;
	[tilespmem:s13+$0x500] =	vst v15;
	v8 =	vadd.f32 v8, v12;
	v12 =	vld [tilespmem:s13+$0x570]  }
0xa8: {  	v15 =	vld [tilespmem:s16+$0x5100];
	[tilespmem:s13+$0x510] =	vst v9;
	v7 =	vadd.f32 v7, v10  }
0xa9: {  	v10 =	vld [tilespmem:s16+$0x5110];
	[tilespmem:s13+$0x520] =	vst v8;
	v6 =	vadd.f32 v6, v11  }
0xaa: {  	v11 =	vld [tilespmem:s16+$0x5120];
	[tilespmem:s13+$0x530] =	vst v7;
	v5 =	vadd.f32 v5, v14  }
0xab: {  	v14 =	vld [tilespmem:s16+$0x5130];
	[tilespmem:s13+$0x540] =	vst v6;
	v4 =	vadd.f32 v4, v13  }
0xac: {  	v13 =	vld [tilespmem:s16+$0x5140];
	[tilespmem:s13+$0x550] =	vst v5;
	v3 =	vadd.f32 v3, v12  }
0xad: {  	v12 =	vld [tilespmem:s16+$0x5150];
	[tilespmem:s13+$0x560] =	vst v4  }
0xae: {  	v16 =	vld [tilespmem:s16+$0x5160];
	[tilespmem:s13+$0x570] =	vst v3;
	s13 =	smov.u32 s16  }
0xaf: {  	v17 =	vld [tilespmem:s13+$0x5170]  }
0xb0: {  	v18 =	vld [tilespmem:s13+$0x5500]  }
0xb1: {  	v9 =	vld [tilespmem:s13+$0x5510]  }
0xb2: {  	v8 =	vld [tilespmem:s13+$0x5520]  }
0xb3: {  	v7 =	vld [tilespmem:s13+$0x5530]  }
0xb4: {  	v6 =	vld [tilespmem:s13+$0x5540]  }
0xb5: {  	v5 =	vld [tilespmem:s13+$0x5550]  }
0xb6: {  	v4 =	vld [tilespmem:s13+$0x5560]  }
0xb7: {  	v3 =	vld [tilespmem:s13+$0x5570]  }
0xb8: {  	v19 =	vld [tilespmem:s13+$0x100]  }
0xb9: {  	v20 =	vld [tilespmem:s13+$0x110]  }
0xba: {  	v21 =	vld [tilespmem:s13+$0x120]  }
0xbb: {  	v22 =	vld [tilespmem:s13+$0x130]  }
0xbc: {  	v23 =	vld [tilespmem:s13+$0x140]  }
0xbd: {  	v15 =	vadd.f32 v15, v19;
	v19 =	vld [tilespmem:s13+$0x150]  }
0xbe: {  	v10 =	vadd.f32 v10, v20;
	v20 =	vld [tilespmem:s13+$0x160]  }
0xbf: {  	[tilespmem:s13+$0x100] =	vst v15;
	v11 =	vadd.f32 v11, v21;
	v15 =	vld [tilespmem:s13+$0x170]  }
0xc0: {  	[tilespmem:s13+$0x110] =	vst v10;
	v10 =	vadd.f32 v14, v22;
	v14 =	vld [tilespmem:s13+$0x500]  }
.Ltmp0:
0xc1: {  	[tilespmem:s13+$0x120] =	vst v11;
	v11 =	vadd.f32 v13, v23;
	v13 =	vld [tilespmem:s13+$0x510];
	(pc) =	sbr.rel @p0 .LBB2_3-.Ltmp0, $4  }
0xc2: {  	[tilespmem:s13+$0x130] =	vst v10;
	v19 =	vadd.f32 v12, v19;
	v12 =	vld [tilespmem:s13+$0x520]  }
0xc3: {  	[tilespmem:s13+$0x140] =	vst v11;
	v20 =	vadd.f32 v16, v20;
	v10 =	vld [tilespmem:s13+$0x530]  }
0xc4: {  	[tilespmem:s13+$0x150] =	vst v19;
	v16 =	vadd.f32 v17, v15;
	v11 =	vld [tilespmem:s13+$0x540]  }
0xc5: {  	s14 =	sadd.s32 $0x80, s14;
	s15 =	sadd.s32 $0x100, s15;
	[tilespmem:s13+$0x160] =	vst v20;
	v15 =	vadd.f32 v18, v14;
	v14 =	vld [tilespmem:s13+$0x550]  }
0xc6: {  	[tilespmem:s13+$0x170] =	vst v16;
	v9 =	vadd.f32 v9, v13;
	v62 =	vld [tilespmem:s13+$0x560]  }
0xc7: {  	v63 =	vld [tilespmem:s13+$0x570];
	[tilespmem:s13+$0x500] =	vst v15;
	v8 =	vadd.f32 v8, v12  }
0xc8: {  	[tilespmem:s13+$0x510] =	vst v9;
	v7 =	vadd.f32 v7, v10  }
0xc9: {  	[tilespmem:s13+$0x520] =	vst v8;
	v6 =	vadd.f32 v6, v11  }
0xca: {  	[tilespmem:s13+$0x530] =	vst v7;
	v5 =	vadd.f32 v5, v14  }
0xcb: {  	[tilespmem:s13+$0x540] =	vst v6;
	v4 =	vadd.f32 v4, v62  }
0xcc: {  	s2 =	sadd.s32 $0x1, s2;
	v3 =	vadd.f32 v3, v63;
	[tilespmem:s13+$0x550] =	vst v5  }
0xcd: {  	s11 =	sshll.u32 s11, $0x5;
	p0 =	sne.s32 s2, $0x7D;
	[tilespmem:s13+$0x560] =	vst v4  }
.Ltmp1:
0xce: {  	s17 =	simm.s32 $0x0;
	s11 =	sadd.s32 s7, s11;
	[tilespmem:s13+$0x570] =	vst v3;
	(pc) =	sbr.rel @p0 .LBB2_2-.Ltmp1, $4  }
0xcf: {  	[hbm4b:s11+s17] =	stream.linear.scatter [tilespmem:s12], [sflag:$0x3], $0x5000, $0x38;
	[tilespmem:$0xA100] =	vst v63  }
0xd0: {  	_ =	swait.ge [sflag:s10], $0x5000  }
0xd1: {  	[sflag:s10] =	ssyncset.done $0x0  }
0xd2: {  	[sflag:s10] =	ssyncadd.s32 $0xFFFFB000  }
0xd3: {  	s11 =	rddreg [dreg:$0x4]  }
0xd4: {  	s2 =	rddreg [dreg:$0x3];
	s11 =	sadd.s32 $0x1, s11  }
0xd5: {  	p0 =	sne.s32 s11, s2  }
.Ltmp2:
0xd6: {  	_ = 	snop;
	(pc) =	sbr.rel @p0 .LBB2_1-.Ltmp2, $1  }
0xd7: {  	_ =	sdelay $0x3  }
0xd8: {  	_ =	sfence.sel $0x180000  }
0xd9: {  	[bflag:$0x0] =	sbarrier.arrive $0xFFFF  }
0xda: {  	_ =	strace $0x9000004A  }
0xdb: {  	s0 =	stileid.u32;
	[bflag:$0x2] =	sbarrier.arrive $0xFFFF  }
0xdc: {  	p0 =	sne.s32 s0, $0x0;
	s0 =	rddreg [dreg:$0x2]  }
0xdd: {  	s0 =	sadd.s32 @!p0 $0x100000, s0  }
0xde: {  	[sflag:s0] =	ssyncadd.tile.s32 @!p0 $0x1;
	_ =	shalt  }
.Lfunc_end2:
_tile_overlayer_lowered:
.L_overlay_start_2:
0xdf: {  	(tag) =	ssettag $0x2  }
0xe0: {  	s0 =	rddreg [dreg:$0x0];
	s2 =	stileid.u32  }
0xe1: {  	s1 =	rddreg [dreg:$0x1];
	p0 =	sne.s32 s2, $0x0  }
0xe2: {  	s3 =	rddreg [dreg:$0x2];
	[bflag:$0x3] =	sbarrier.arrive $0xFFFF;
	s2 =	simm.s32 @!p0 $0x1C03  }
0xe3: {  	[timem:s3], [sflag:s2] =	dma.local @!p0 [hbm:s0], s1  }
0xe4: {  	s0 =	simm.s32 @!p0 $0x3  }
0xe5: {  	_ =	swait.ge @!p0 [sflag:s0], s1  }
0xe6: {  	s1 =	ssub.s32 @!p0 $0x0, s1;
	[sflag:s0] =	ssyncset.done @!p0 $0x0  }
0xe7: {  	[sflag:s0] =	ssyncadd.s32 @!p0 s1  }
0xe8: {  	[bflag:$0x3] =	sbarrier.arrive $0xFFFF  }
0xe9: {  	_ =	shalt  }

// kernel: sparse-core-data-format-call.cloned.1.call-start
scs
called_computation_lowered:
.L_overlay_start_0:
0x0: {  	s2 =	sld [smem:$0x3FD9]  }
0x1: {  	s3 =	sld [smem:$0x3FFE];
	_ =	sdelay $0x1  }
0x2: {  	s1 =	srdreg.scid  }
0x3: {  	s0 =	sand.u32 $0x1, s1  }
0x4: {  	s15 =	sshll.u32 s0, $0xA;
	s2 =	sadd.s32 s3, s2  }
0x5: {  	s2 =	sadd.s32 s2, s15  }
0x6: {  	[smem:$0x3FC1] =	sst s2  }
0x7: {  	_ = 	snop  }
0x8: {  	s2 =	sld [smem:$0x3FD0];
	_ =	sdelay $0x2  }
0x9: {  	s16 =	simm.s32 $0xA;
	s4 =	simm.s32 $0x10  }
0xa: {  	[smem:s4], [sflag:s16] =	dma.local [hbm:s2], $0x1  }
0xb: {  	_ =	swait.eq [sflag:s16], $0x1  }
0xc: {  	[sflag:s16] =	ssyncset.done $0x0  }
0xd: {  	[sflag:s16] =	ssyncadd.s32 $0xFFFFFFFF  }
0xe: {  	s17 =	sld [smem:$0x11];
	(tm) =	ssettm $0x1  }
0xf: {  	s18 =	sld [smem:$0x3FFB];
	_ =	sdelay $0x3  }
0x10: {  	_ =	strace s18  }
0x11: {  	s3 =	sld [smem:$0x3FFC];
	_ =	sdelay $0x3  }
0x12: {  	_ =	strace s3  }
0x13: {  	s3 =	sld [smem:$0x3FFD];
	_ =	sdelay $0x3  }
0x14: {  	_ =	strace s3  }
0x15: {  	_ =	strace $0x8FFFFFFF  }
0x16: {  	s19 =	sld [smem:$0x3FDB];
	_ =	sdelay $0x1  }
0x17: {  	s20 =	simm.s32 $_scs_section_size  }
0x18: {  	s5 =	simm.s32 $_size__tile_overlayer_lowered;
	s6 =	simm.s32 $_tile_overlayer_lowered  }
0x19: {  	s23 =	simm.s32 $0x1BFF;
	s22 =	sshll.u32 s6, $0x1;
	s3 =	sadd.s32 s20, s19  }
0x1a: {  	s7 =	simm.s32 $0x0;
	s21 =	sshll.u32 s5, $0x1;
	s5 =	sadd.s32 s22, s3  }
0x1b: {  	[timem:s7], [sflag:s23] =	dma.local [hbm:s5], s21  }
0x1c: {  	_ =	swait.ge [sflag:s23], s21  }
0x1d: {  	s4 =	ssub.s32 $0x0, s21;
	[sflag:s23] =	ssyncset.done $0x0  }
0x1e: {  	[sflag:s23] =	ssyncadd.s32 s4;
	_ =	sdelay $0x1  }
0x1f: {  	s24 =	simm.s32 $0x1B8B  }
0x20: {  	_ =	swait.ge [sflag:s24], $0x1  }
0x21: {  	[sflag:s24] =	ssyncset.done $0x0  }
0x22: {  	s26 =	simm.s32 $0x1B8E;
	s25 =	sld [smem:$0x3FFE];
	[sflag:s24] =	ssyncadd.s32 $0xFFFFFFFF  }
0x23: {  	s27 =	simm.s32 $execute0_lowered;
	[smem:$0x3FD2] =	sst s26  }
0x24: {  	s5 =	sshll.u32 s27, $0x1;
	_ =	strace $0x8000004C;
	[dreg:$0x1] =	wrdreg $0xFFFFFFFF  }
0x25: {  	s28 =	simm.s32 $_size_execute0_lowered;
	s3 =	sadd.s32 s3, s5;
	[dreg:$0x0] =	wrdreg $0x0  }
0x26: {  	s5 =	sshll.u32 s28, $0x1;
	[dreg:$0x2] =	wrdreg s3  }
0x27: {  	[dreg:$0x3] =	wrdreg s5  }
0x28: {  	[dreg:$0x4] =	wrdreg $0xC0  }
0x29: {  	_ =	task [dreg:s7], $0x5FFFF  }
0x2a: {  	[dreg:$0x1] =	wrdreg $0xFFFFFFFF  }
0x2b: {  	[dreg:$0x0] =	wrdreg $0x60  }
0x2c: {  	[dreg:$0x2] =	wrdreg s25  }
0x2d: {  	[dreg:$0x3] =	wrdreg s17  }
0x2e: {  	[dreg:$0x4] =	wrdreg $0x9  }
0x2f: {  	_ =	task.clear_ibuf [dreg:s7], $0x5FFFF;
	_ =	strace $0x9000004C  }
0x30: {  	s29 =	simm.s32 $0x9;
	_ =	strace $0x8000004E  }
0x31: {  	_ =	swait.ge [sflag:s29], $0x1  }
0x32: {  	[sflag:s29] =	ssyncadd.s32 $0xFFFFFFFF  }
0x33: {  	_ =	strace $0x9000004E  }
0x34: {  	_ =	sfence  }
0x35: {  	s30 =	sld [smem:$0x0];
	_ =	sdelay $0x2  }
0x36: {  	s31 =	sshll.u32 s1, $0xD;
	s1 =	sshrl.u32 s1, $0x2  }
0x37: {  	s3 =	sand.u32 $0x4000, s31;
	s1 =	sadd.s32 s1, s30  }
0x38: {  	s0 =	sor.u32 s3, s0;
	s1 =	sshll.u32 s1, $0x11  }
0x39: {  	s0 =	sor.u32 s1, s0  }
0x3a: {  	s0 =	sadd.s32 $0x8F2B, s0  }
0x3b: {  	[sflag:s0] =	ssyncadd.remote.s32 $0x1  }
0x3c: {  	_ =	sfence.sel $0xFFFF  }
0x3d: {  	[dreg:$0x0] =	wrdreg $0xFFFFFFFF;
	(pc) =	sbr.abs _section_cstart, $3  }
0x3e: {  	[dreg:$0x1] =	wrdreg $0xFFFFFFFF  }
0x3f: {  	_ =	task.clear_ibuf [dreg:s7], $0x2FFFF;
	_ =	strace $0x9FFFFFFF  }
0x40: {  	(tm) =	ssettm $0x7FFFFFFF  }
0x41: {  	_ =	shalt  }
tec
execute0_lowered:
.L_overlay_start_1:
0x0: {  	(tag) =	ssettag $0x1  }
0x1: {  	s0 =	srdreg.scid  }
0x2: {  	s1 =	sshll.u32 s0, $0x4  }
0x3: {  	s4 =	rddreg [dreg:$0x0];
	s0 =	stileid.u32;
	s1 =	sand.u32 $0x10, s1  }
0x4: {  	s2 =	rddreg [dreg:$0x1];
	s7 =	simm.s32 $0x1;
	s1 =	sor.u32 s0, s1  }
0x5: {  	s8 =	simm.s32 $0x2;
	s9 =	simm.s32 $0x0;
	s3 =	sshll.u32 s1, $0x6  }
0x6: {  	s12 =	simm.s32 $0x0;
	s11 =	simm.s32 $0x0;
	s6 =	ssub.s32 $0x4E200, s3  }
.Ltmp0:
0x7: {  	s4 =	sadd.s32 $0x64200, s4;
	s5 =	sand.u32 $0x7C0, s6;
	(pc) =	sbr.rel .LBB1_1-.Ltmp0, $4  }
0x8: {  	s1 =	rddreg [dreg:$0x2];
	_ =	strace $0x8000004D;
	p0 =	sne.s32 s5, $0x0  }
0x9: {  	s6 =	sshrl.u32 s6, $0xB;
	s5 =	simm.s32 $0x1;
	s7 =	simm.s32 @!p0 $0x0  }
0xa: {  	s10 =	smov.u32 s3;
	[sflag:s5] =	ssyncpa.u1 $0x0;
	s6 =	sadd.s32 s7, s6  }
0xb: {  	[sflag:s8] =	ssyncpa.u1 $0x0;
	s8 =	simm.s32 $0x0;
	s7 =	sadd.s32 $0x1, s6  }
.LBB1_4:
0xc: {  	_ = 	snop  }
0xd: {  	[tilespmem:s15+$0xFFFFFFE0] =	vst v8  }
0xe: {  	[tilespmem:s15+$0xFFFFFFF0] =	vst v7  }
0xf: {  	[tilespmem:s15+$0x10] =	vst v1  }
0x10: {  	s18 =	sor.u32 s20, s19;
	v47 =	vld.idx.msk [tilespmem:v0+s16+$0x470 ss:$0x1], $0xffff;
	[tilespmem:s15+$0x20] =	vst v2  }
0x11: {  	[tilespmem:s15+$0x30] =	vst v3;
	v57 =	vld.idx.msk [tilespmem:v0+s18+$0x410 ss:$0x1], $0xffff  }
0x12: {  	[tilespmem:s15+$0x40] =	vst v4;
	v58 =	vld.idx.msk [tilespmem:v0+s18+$0x420 ss:$0x1], $0xffff  }
0x13: {  	[tilespmem:s15+$0x50] =	vst v5;
	v59 =	vld.idx.msk [tilespmem:v0+s18+$0x430 ss:$0x1], $0xffff  }
0x14: {  	[tilespmem:s15+$0x60] =	vst v6;
	v60 =	vld.idx.msk [tilespmem:v0+s18+$0x440 ss:$0x1], $0xffff  }
0x15: {  	s31 =	sadd.s32 $0x100, s15;
	s19 =	sand.u32 $0x3B00, s18;
	v61 =	vld.idx.msk [tilespmem:v0+s18+$0x450 ss:$0x1], $0xffff;
	[tilespmem:s15+$0x70] =	vst v47  }
0x16: {  	s17 =	sand.u32 $0x80, s17;
	v62 =	vld.idx.msk [tilespmem:v0+s18+$0x460 ss:$0x1], $0xffff;
	s14 =	sadd.s32 s19, s14;
	[tilespmem:s31+$0x10] =	vst v57  }
0x17: {  	v63 =	vld.idx.msk [tilespmem:v0+s18+$0x470 ss:$0x1], $0xffff;
	s14 =	sadd.s32 s17, s14;
	[tilespmem:s31+$0x20] =	vst v58  }
0x18: {  	v48 =	vld [tilespmem:s14+$0x400];
	[tilespmem:s31+$0x30] =	vst v59  }
0x19: {  	v49 =	vld [tilespmem:s14+$0x0];
	[tilespmem:s31+$0x40] =	vst v60  }
0x1a: {  	v50 =	vld [tilespmem:s14+$0x10];
	[tilespmem:s31+$0x50] =	vst v61  }
0x1b: {  	v51 =	vld [tilespmem:s14+$0x20];
	[tilespmem:s31+$0x60] =	vst v62  }
0x1c: {  	v52 =	vld [tilespmem:s14+$0x30];
	[tilespmem:s31+$0x70] =	vst v63  }
0x1d: {  	v53 =	vld [tilespmem:s14+$0x40];
	[tilespmem:s31+$0x0] =	vst v48  }
0x1e: {  	v54 =	vld [tilespmem:s14+$0x50];
	[tilespmem:s31+$0xFFFFFF80] =	vst v49  }
0x1f: {  	v55 =	vld [tilespmem:s14+$0x60];
	[tilespmem:s31+$0xFFFFFF90] =	vst v50  }
0x20: {  	v56 =	vld [tilespmem:s14+$0x70];
	[tilespmem:s31+$0xFFFFFFA0] =	vst v51  }
0x21: {  	[tilespmem:s31+$0xFFFFFFB0] =	vst v52  }
0x22: {  	[tilespmem:s31+$0xFFFFFFC0] =	vst v53  }
0x23: {  	[tilespmem:s31+$0xFFFFFFD0] =	vst v54  }
0x24: {  	s12 =	sshll.u32 s12, $0x5;
	[tilespmem:s31+$0xFFFFFFE0] =	vst v55  }
0x25: {  	s12 =	sadd.s32 s2, s12;
	[tilespmem:s31+$0xFFFFFFF0] =	vst v56  }
0x26: {  	[hbm4b:s12+s8] =	stream.linear.scatter [tilespmem:s13], [sflag:$0x2], $0x4000, $0x38;
	[tilespmem:$0x10000] =	vst v63  }
.LBB1_5:
0x27: {  	s14 =	sadd.s32 $0x800, s10  }
0x28: {  	p1 =	sgt.s32 s14, $0x4E1FF  }
0x29: {  	s14 =	smov.u32 @p1 s3;
	p1 =	sne.s32 s11, s7  }
.Ltmp1:
0x2a: {  	p0 =	slt.u32 s11, $0x2;
	(pc) =	sbr.rel @!p1 .LBB1_6-.Ltmp1, $4  }
0x2b: {  	s13 =	simm.s32 @!p0 $0x2  }
0x2c: {  	s15 =	sadd.s32 $0x1, s11;
	_ =	swait.ge @!p0 [sflag:s13], $0x4000  }
0x2d: {  	s12 =	smov.u32 s10;
	s9 =	sadd.s32 $0x4000, s9;
	[sflag:s13] =	ssyncset.done @!p0 $0x0  }
0x2e: {  	s11 =	smov.u32 s15;
	s10 =	smov.u32 s14;
	[sflag:s13] =	ssyncadd.s32 @!p0 $0xFFFFC000  }
.LBB1_1:
0x2f: {  	p0 =	sge.u32 s11, s6  }
0x30: {  	s13 =	sshll.u32 @!p0 s10, $0x8;
	s14 =	sshll.u32 @!p0 s10, $0x7  }
0x31: {  	s13 =	sand.u32 @!p0 $0xFFFFF800, s13;
	s14 =	sand.u32 @!p0 $0x300, s14  }
0x32: {  	s13 =	sor.u32 @!p0 s14, s13  }
0x33: {  	s13 =	sshrl.u32 @!p0 s13, $0x8  }
0x34: {  	s14 =	smulhi.u32 @!p0 $0x1A36E3, s13;
	_ =	sdelay $0x1  }
0x35: {  	s14 =	sshrl.u32 @!p0 s14, $0x7  }
0x36: {  	s14 =	smul.u32 @!p0 $0x4E200, s14  }
0x37: {  	s31 =	sadd.s32 $0xFFFFFFFF, s11;
	s15 =	sshll.u32 @!p0 s10, $0x4  }
0x38: {  	s15 =	sand.u32 @!p0 $0x10, s15;
	s13 =	ssub.s32 @!p0 s13, s14;
	s14 =	sxor.u32 @!p0 $0xFFFFFFFF, s11  }
0x39: {  	s15 =	sadd.s32 @!p0 s4, s15;
	s14 =	sshll.u32 @!p0 s14, $0xE;
	s13 =	sshll.u32 @!p0 s13, $0x5  }
0x3a: {  	s14 =	sand.u32 @!p0 $0x4000, s14;
	s13 =	sadd.s32 @!p0 s13, s15;
	s15 =	simm.s32 @!p0 $0x0  }
0x3b: {  	[tilespmem:s14], [sflag:$0x1] =	stream.linear.gather @!p0 [hbm4b:s13+s15], $0x4000, $0x38;
	[tilespmem:$0x10000] =	vst v63  }
0x3c: {  	p0 =	sge.u32 s31, s6  }
.Ltmp2:
0x3d: {  	_ = 	snop;
	(pc) =	sbr.rel @p0 .LBB1_5-.Ltmp2, $1  }
0x3e: {  	_ =	sdelay $0x3  }
0x3f: {  	s30 =	simm.s32 $0x0  }
0x40: {  	s15 =	sand.u32 $0x3800, s30;
	s16 =	sand.u32 $0x380, s30  }
0x41: {  	s13 =	sshll.u32 s11, $0xE;
	s16 =	sor.u32 s16, s15  }
0x42: {  	_ =	swait.ge [sflag:s5], $0x4000;
	s14 =	sand.u32 $0x4000, s13;
	s15 =	sand.u32 $0x3B00, s16  }
0x43: {  	[sflag:s5] =	ssyncset.done $0x0;
	s13 =	sand.u32 $0x80, s30;
	s15 =	sadd.s32 s15, s14  }
0x44: {  	[sflag:s5] =	ssyncadd.s32 $0xFFFFC000;
	s13 =	sadd.s32 s13, s15  }
0x45: {  	v4 =	vld [tilespmem:s13+$0x400]  }
0x46: {  	v5 =	vld [tilespmem:s13+$0x0]  }
0x47: {  	v6 =	vld [tilespmem:s13+$0x10]  }
0x48: {  	v0 =	vmov s14;
	v7 =	vld [tilespmem:s13+$0x20]  }
0x49: {  	v9 =	vld [tilespmem:s13+$0x30]  }
0x4a: {  	v10 =	vld [tilespmem:s13+$0x40]  }
0x4b: {  	s31 =	sand.u32 $0x4000, s9;
	v11 =	vld [tilespmem:s13+$0x50]  }
0x4c: {  	s15 =	sor.u32 $0x8080, s31;
	v8 =	vld [tilespmem:s13+$0x60]  }
0x4d: {  	v1 =	vld.idx.msk [tilespmem:v0+s16+$0x410 ss:$0x1], $0xffff;
	[tilespmem:s15+$0x0] =	vst v4  }
0x4e: {  	v2 =	vld.idx.msk [tilespmem:v0+s16+$0x420 ss:$0x1], $0xffff;
	[tilespmem:s15+$0xFFFFFF80] =	vst v5  }
0x4f: {  	v3 =	vld.idx.msk [tilespmem:v0+s16+$0x430 ss:$0x1], $0xffff;
	[tilespmem:s15+$0xFFFFFF90] =	vst v6  }
0x50: {  	[tilespmem:s15+$0xFFFFFFA0] =	vst v7;
	v7 =	vld [tilespmem:s13+$0x70]  }
0x51: {  	s18 =	simm.s32 $0x100;
	[tilespmem:s15+$0xFFFFFFB0] =	vst v9;
	v4 =	vld.idx.msk [tilespmem:v0+s16+$0x440 ss:$0x1], $0xffff  }
0x52: {  	s17 =	simm.s32 $0x80;
	s19 =	sand.u32 $0x3800, s18;
	[tilespmem:s15+$0xFFFFFFC0] =	vst v10;
	v5 =	vld.idx.msk [tilespmem:v0+s16+$0x450 ss:$0x1], $0xffff  }
0x53: {  	s20 =	sand.u32 $0x380, s17;
	s18 =	simm.s32 $0x200;
	s13 =	sor.u32 $0x8000, s14;
	[tilespmem:s15+$0xFFFFFFD0] =	vst v11;
	v6 =	vld.idx.msk [tilespmem:v0+s16+$0x460 ss:$0x1], $0xffff  }
.LBB1_3:
0x54: {  	p0 =	sne.s32 s18, $0x3F00;
	[tilespmem:s15+$0xFFFFFFE0] =	vst v8;
	v8 =	vld.idx.msk [tilespmem:v0+s16+$0x470 ss:$0x1], $0xffff;
	s16 =	sor.u32 s20, s19  }
0x55: {  	s19 =	sand.u32 $0x3B00, s16;
	v9 =	vld.idx.msk [tilespmem:v0+s16+$0x410 ss:$0x1], $0xffff;
	[tilespmem:s15+$0xFFFFFFF0] =	vst v7  }
0x56: {  	s20 =	sand.u32 $0x80, s17;
	s19 =	sadd.s32 s19, s14;
	v7 =	vld.idx.msk [tilespmem:v0+s16+$0x420 ss:$0x1], $0xffff;
	[tilespmem:s15+$0x10] =	vst v1  }
0x57: {  	s19 =	sadd.s32 s20, s19;
	v10 =	vld.idx.msk [tilespmem:v0+s16+$0x430 ss:$0x1], $0xffff;
	[tilespmem:s15+$0x20] =	vst v2  }
0x58: {  	v11 =	vld [tilespmem:s19+$0x400];
	[tilespmem:s15+$0x30] =	vst v3  }
0x59: {  	v12 =	vld [tilespmem:s19+$0x0];
	[tilespmem:s15+$0x40] =	vst v4  }
0x5a: {  	v4 =	vld [tilespmem:s19+$0x10];
	[tilespmem:s15+$0x50] =	vst v5  }
0x5b: {  	v1 =	vmov v9;
	v5 =	vld [tilespmem:s19+$0x20];
	[tilespmem:s15+$0x60] =	vst v6  }
0x5c: {  	v2 =	vmov v7;
	v6 =	vld [tilespmem:s19+$0x30];
	[tilespmem:s15+$0x70] =	vst v8;
	s15 =	sadd.s32 $0x100, s15  }
0x5d: {  	v3 =	vmov v10;
	v9 =	vld [tilespmem:s19+$0x40];
	[tilespmem:s15+$0x0] =	vst v11  }
0x5e: {  	[tilespmem:s15+$0xFFFFFF80] =	vst v12;
	v10 =	vld [tilespmem:s19+$0x50]  }
.Ltmp3:
0x5f: {  	[tilespmem:s15+$0xFFFFFF90] =	vst v4;
	v8 =	vld [tilespmem:s19+$0x60];
	(pc) =	sbr.rel @p0 .LBB1_3-.Ltmp3, $4  }
0x60: {  	[tilespmem:s15+$0xFFFFFFA0] =	vst v5;
	v7 =	vld [tilespmem:s19+$0x70]  }
0x61: {  	[tilespmem:s15+$0xFFFFFFB0] =	vst v6;
	v4 =	vld.idx.msk [tilespmem:v0+s16+$0x440 ss:$0x1], $0xffff  }
0x62: {  	s17 =	sadd.s32 $0x80, s17;
	[tilespmem:s15+$0xFFFFFFC0] =	vst v9;
	v5 =	vld.idx.msk [tilespmem:v0+s16+$0x450 ss:$0x1], $0xffff  }
0x63: {  	s20 =	sand.u32 $0x380, s17;
	s19 =	sand.u32 $0x3800, s18;
	s18 =	sadd.s32 $0x100, s18;
	[tilespmem:s15+$0xFFFFFFD0] =	vst v10;
	v6 =	vld.idx.msk [tilespmem:v0+s16+$0x460 ss:$0x1], $0xffff  }
.Ltmp4:
0x64: {  	_ = 	snop;
	(pc) =	sbr.rel .LBB1_4-.Ltmp4, $1  }
0x65: {  	_ =	sdelay $0x3  }
.LBB1_6:
0x66: {  	_ =	sfence.sel $0x180000  }
0x67: {  	s2 =	simm.s32 $0x1;
	[bflag:$0x0] =	sbarrier.arrive $0xFFFF  }
0x68: {  	s31 =	simm.s32 $0x2;
	[sflag:s2] =	ssyncpa.u1 $0x1  }
0x69: {  	[sflag:s31] =	ssyncpa.u1 $0x1  }
0x6a: {  	p0 =	sne.s32 s0, $0x0;
	_ =	strace $0x9000004D  }
0x6b: {  	s0 =	sadd.s32 @!p0 $0x100000, s1;
	[bflag:$0x2] =	sbarrier.arrive $0xFFFF  }
0x6c: {  	[sflag:s0] =	ssyncadd.tile.s32 @!p0 $0x1;
	_ =	shalt  }
.Lfunc_end1:
_tile_overlayer_lowered:
.L_overlay_start_2:
0x6d: {  	(tag) =	ssettag $0x2  }
0x6e: {  	s0 =	rddreg [dreg:$0x0];
	s2 =	stileid.u32  }
0x6f: {  	s1 =	rddreg [dreg:$0x1];
	p0 =	sne.s32 s2, $0x0  }
0x70: {  	s3 =	rddreg [dreg:$0x2];
	[bflag:$0x3] =	sbarrier.arrive $0xFFFF;
	s2 =	simm.s32 @!p0 $0x1C01  }
0x71: {  	[timem:s3], [sflag:s2] =	dma.local @!p0 [hbm:s0], s1  }
0x72: {  	s0 =	simm.s32 @!p0 $0x1  }
0x73: {  	_ =	swait.ge @!p0 [sflag:s0], s1  }
0x74: {  	s1 =	ssub.s32 @!p0 $0x0, s1;
	[sflag:s0] =	ssyncset.done @!p0 $0x0  }
0x75: {  	[sflag:s0] =	ssyncadd.s32 @!p0 s1  }
0x76: {  	[bflag:$0x3] =	sbarrier.arrive $0xFFFF  }
0x77: {  	_ =	shalt  }

</sc_bundles>
